<compile_context>
chip_gen: v7x
topology: tpu7x:2x2x1
jax: 0.10.2.dev20260603
libtpu: 0.0.44.dev20260713+nightly
codegen_flags: <defaults>
</compile_context>

<pallas_src>
import functools

import jax
import jax.numpy as jnp
from jax import lax
from jax.experimental import pallas as pl
from jax.experimental.pallas import tpu as pltpu
from jax.experimental.pallas import tpu_sc as plsc

D_MODEL = 64
D_PAD = 128
D_VOCAB_ROWS = 1000000
N_TOKENS = 4096 * 200
NUM_WORKERS = 32
CHUNK = 128
B_PER_W = N_TOKENS // NUM_WORKERS
N_CHUNKS = B_PER_W // CHUNK

_mesh = plsc.VectorSubcoreMesh(core_axis_name="c", subcore_axis_name="s")


@functools.partial(
    pl.kernel,
    mesh=_mesh,
    compiler_params=pltpu.CompilerParams(use_tc_tiling_on_sc=False),
    out_type=jax.ShapeDtypeStruct((N_TOKENS, D_PAD), jnp.float32),
    scratch_types=[
        pltpu.VMEM((N_CHUNKS, CHUNK), jnp.int32),
        [pltpu.VMEM((CHUNK, D_MODEL), jnp.float32) for _ in range(8)],
        [pltpu.SemaphoreType.DMA for _ in range(8)],
        [pltpu.SemaphoreType.DMA for _ in range(8)],
    ],
)
def _embed_sc(tok_hbm, table_hbm, out_hbm, idx_v, rows, gsem, wsem):
    wid = lax.axis_index("s") * 2 + lax.axis_index("c")
    base = wid * B_PER_W
    pltpu.sync_copy(tok_hbm.at[wid], idx_v)

    def gather_start(j, b):
        pltpu.async_copy(table_hbm.at[idx_v.at[j]], rows[b], gsem[b])

    def gather_wait(b):
        pltpu.make_async_copy(table_hbm.at[idx_v.at[0]], rows[b], gsem[b]).wait()

    def write_start(j, b):
        pltpu.async_copy(rows[b],
                         out_hbm.at[pl.ds(base + j * CHUNK, CHUNK),
                                    pl.ds(0, D_MODEL)],
                         wsem[b])

    def write_wait(b):
        pltpu.make_async_copy(rows[b],
                              out_hbm.at[pl.ds(base, CHUNK), pl.ds(0, D_MODEL)],
                              wsem[b]).wait()

    NBUF, DEPTH = 8, 7
    PRO = NBUF - DEPTH
    assert (N_CHUNKS - DEPTH - PRO) % NBUF == 0
    for j in range(DEPTH):
        gather_start(j, j % NBUF)
    for j in range(PRO):
        gather_wait(j % NBUF)
        write_start(j, j % NBUF)
        gather_start(j + DEPTH, (j + DEPTH) % NBUF)

    def body(i, _):
        j0 = PRO + i * NBUF
        for k in range(NBUF):
            b = (PRO + k) % NBUF
            j = j0 + k
            gather_wait(b)
            write_start(j, b)
            nb = (b + DEPTH) % NBUF
            write_wait(nb)
            gather_start(j + DEPTH, nb)
        return 0

    lax.fori_loop(0, (N_CHUNKS - DEPTH - PRO) // NBUF, body, 0)

    for k in range(DEPTH):
        j = N_CHUNKS - DEPTH + k
        gather_wait(j % NBUF)
        write_start(j, j % NBUF)
    for b in range(NBUF):
        write_wait(b)


def kernel(tokens, embed_weight):
    tok2 = (tokens * 2).reshape(NUM_WORKERS, N_CHUNKS, CHUNK)
    tablep = jnp.pad(embed_weight, ((0, 0), (0, D_PAD - D_MODEL)))
    table2 = tablep.reshape(2 * D_VOCAB_ROWS, D_MODEL)
    out = _embed_sc(tok2, table2)
    return out[:, :D_MODEL].reshape(4096, 200, D_MODEL)

# --- scband reference (transcript-rebuilt; emitter-appended) ---
"""Pipeline reference for scband-embed-79121887527482 (READ-ONLY COPY).

The authoritative reference and input builder live on the scoring server;
editing this copy changes nothing except your own understanding.
"""

import jax, jax.numpy as jnp
import numpy as np

D_VOCAB = 1000000
D_MODEL = 64
PADDING_IDX = 0


def setup_inputs(seed: int = 0) -> dict:
    key = jax.random.key(seed)
    k_tok, k_w = jax.random.split(key)
    tokens = jax.random.randint(k_tok, (4096, 200), 0, D_VOCAB, dtype=jnp.int32)
    embed_weight = jax.random.normal(k_w, (D_VOCAB, D_MODEL), dtype=jnp.float32)
    # torch nn.Embedding zeroes the padding_idx row at init
    embed_weight = embed_weight.at[PADDING_IDX].set(0.0)
    return {"tokens": tokens, "embed_weight": embed_weight}


def reference(tokens, embed_weight):
    # Embed.forward: embed = self.embed_tokens(tokens)
    embed = jnp.take(embed_weight, tokens, axis=0)
    return embed

if __name__ == "__main__":
    import jax
    _d = setup_inputs()
    print(jax.jit(kernel)(*tuple(_d.values())))

</pallas_src>

<mosaic_0001>
#map = affine_map<(d0, d1) -> (0, 0, 0)>
#map1 = affine_map<(d0, d1) -> (0, 0)>
module attributes {stable_mosaic.version = 14 : i64} {
  func.func @_embed_sc(%arg0: i32, %arg1: i32, %arg2: memref<32x200x128xi32, #tpu.memory_space<hbm>>, %arg3: memref<2000000x64xf32, #tpu.memory_space<hbm>>, %arg4: memref<819200x128xf32, #tpu.memory_space<hbm>>, %arg5: memref<200x128xi32, #tpu.memory_space<vmem>>, %arg6: memref<128x64xf32, #tpu.memory_space<vmem>>, %arg7: memref<128x64xf32, #tpu.memory_space<vmem>>, %arg8: memref<128x64xf32, #tpu.memory_space<vmem>>, %arg9: memref<128x64xf32, #tpu.memory_space<vmem>>, %arg10: memref<128x64xf32, #tpu.memory_space<vmem>>, %arg11: memref<128x64xf32, #tpu.memory_space<vmem>>, %arg12: memref<128x64xf32, #tpu.memory_space<vmem>>, %arg13: memref<128x64xf32, #tpu.memory_space<vmem>>, %arg14: memref<!tpu.dma_semaphore, #tpu.memory_space<semaphore_mem>>, %arg15: memref<!tpu.dma_semaphore, #tpu.memory_space<semaphore_mem>>, %arg16: memref<!tpu.dma_semaphore, #tpu.memory_space<semaphore_mem>>, %arg17: memref<!tpu.dma_semaphore, #tpu.memory_space<semaphore_mem>>, %arg18: memref<!tpu.dma_semaphore, #tpu.memory_space<semaphore_mem>>, %arg19: memref<!tpu.dma_semaphore, #tpu.memory_space<semaphore_mem>>, %arg20: memref<!tpu.dma_semaphore, #tpu.memory_space<semaphore_mem>>, %arg21: memref<!tpu.dma_semaphore, #tpu.memory_space<semaphore_mem>>, %arg22: memref<!tpu.dma_semaphore, #tpu.memory_space<semaphore_mem>>, %arg23: memref<!tpu.dma_semaphore, #tpu.memory_space<semaphore_mem>>, %arg24: memref<!tpu.dma_semaphore, #tpu.memory_space<semaphore_mem>>, %arg25: memref<!tpu.dma_semaphore, #tpu.memory_space<semaphore_mem>>, %arg26: memref<!tpu.dma_semaphore, #tpu.memory_space<semaphore_mem>>, %arg27: memref<!tpu.dma_semaphore, #tpu.memory_space<semaphore_mem>>, %arg28: memref<!tpu.dma_semaphore, #tpu.memory_space<semaphore_mem>>, %arg29: memref<!tpu.dma_semaphore, #tpu.memory_space<semaphore_mem>>) attributes {dimension_semantics = [#tpu.dimension_semantics<core_parallel>, #tpu.dimension_semantics<subcore_parallel>], iteration_bounds = array<i64: 2, 16>, scalar_prefetch = 0 : i64, scratch_operands = 25 : i64, tpu.core_type = #tpu.core_type<sc_vector_subcore>, window_params = [{transform_indices = #map}, {transform_indices = #map1}, {transform_indices = #map1}]} {
    %mul3A = arith.constant 2 : i32
    %mul3A_0 = arith.muli %arg1, %mul3A : i32
    %add3A = arith.addi %mul3A_0, %arg0 : i32
    %mul3A_1 = arith.constant 25600 : i32
    %mul3A_2 = arith.muli %add3A, %mul3A_1 : i32
    "tpu.region"() ({
      %run_scoped3A = tpu.sem_alloc : memref<!tpu.dma_semaphore, #tpu.memory_space<semaphore_mem>>
      %dma_start3A_199 = arith.constant 0 : i32
      %dma_start3A_200 = arith.constant 0 : i32
      %dma_start3A_201 = tpu.memref_slice %arg2[%add3A, %dma_start3A_199, %dma_start3A_200] : memref<32x200x128xi32, #tpu.memory_space<hbm>> -> memref<1x200x128xi32, #tpu.memory_space<hbm>>
      %dma_start3A_202 = tpu.memref_squeeze %dma_start3A_201 : memref<1x200x128xi32, #tpu.memory_space<hbm>> -> memref<200x128xi32, #tpu.memory_space<hbm>>
      %dma_start3A_203 = arith.constant 0 : i32
      %dma_start3A_204 = arith.constant 0 : i32
      %dma_start3A_205 = tpu.memref_slice %arg2[%add3A, %dma_start3A_203, %dma_start3A_204] : memref<32x200x128xi32, #tpu.memory_space<hbm>> -> memref<1x200x128xi32, #tpu.memory_space<hbm>>
      %dma_start3A_206 = tpu.memref_squeeze %dma_start3A_205 : memref<1x200x128xi32, #tpu.memory_space<hbm>> -> memref<200x128xi32, #tpu.memory_space<hbm>>
      tpu.enqueue_dma source(%dma_start3A_206 : memref<200x128xi32, #tpu.memory_space<hbm>>) target(%arg5 : memref<200x128xi32, #tpu.memory_space<vmem>>) target_semaphore(%run_scoped3A : memref<!tpu.dma_semaphore, #tpu.memory_space<semaphore_mem>>)
      %dma_wait3A_207 = arith.constant 0 : i32
      %dma_wait3A_208 = arith.constant 0 : i32
      %dma_wait3A_209 = tpu.memref_slice %arg2[%add3A, %dma_wait3A_207, %dma_wait3A_208] : memref<32x200x128xi32, #tpu.memory_space<hbm>> -> memref<1x200x128xi32, #tpu.memory_space<hbm>>
      %dma_wait3A_210 = tpu.memref_squeeze %dma_wait3A_209 : memref<1x200x128xi32, #tpu.memory_space<hbm>> -> memref<200x128xi32, #tpu.memory_space<hbm>>
      %dma_wait3A_211 = arith.constant 0 : i32
      %dma_wait3A_212 = arith.constant 0 : i32
      %dma_wait3A_213 = tpu.memref_slice %arg2[%add3A, %dma_wait3A_211, %dma_wait3A_212] : memref<32x200x128xi32, #tpu.memory_space<hbm>> -> memref<1x200x128xi32, #tpu.memory_space<hbm>>
      %dma_wait3A_214 = tpu.memref_squeeze %dma_wait3A_213 : memref<1x200x128xi32, #tpu.memory_space<hbm>> -> memref<200x128xi32, #tpu.memory_space<hbm>>
      tpu.wait_dma2 semaphore(%run_scoped3A : memref<!tpu.dma_semaphore, #tpu.memory_space<semaphore_mem>>) src(%dma_wait3A_214 : memref<200x128xi32, #tpu.memory_space<hbm>>) dst(%arg5 : memref<200x128xi32, #tpu.memory_space<vmem>>)
      tpu.yield
    }) : () -> ()
    %dma_start3A = arith.constant 0 : i32
    %dma_start3A_3 = arith.constant 0 : i32
    %dma_start3A_4 = tpu.memref_slice %arg5[%dma_start3A, %dma_start3A_3] : memref<200x128xi32, #tpu.memory_space<vmem>> -> memref<1x128xi32, #tpu.memory_space<vmem>>
    %dma_start3A_5 = tpu.memref_squeeze %dma_start3A_4 : memref<1x128xi32, #tpu.memory_space<vmem>> -> memref<128xi32, #tpu.memory_space<vmem>>
    %dma_start3A_6 = arith.constant 0 : i32
    %dma_start3A_7 = arith.constant 0 : i32
    %dma_start3A_8 = tpu.memref_slice %arg3[%dma_start3A_6, %dma_start3A_7] : memref<2000000x64xf32, #tpu.memory_space<hbm>> -> memref<2000000x64xf32, #tpu.memory_space<hbm>>
    tpu.enqueue_indirect_dma source(%dma_start3A_8 : memref<2000000x64xf32, #tpu.memory_space<hbm>>) target(%arg6 : memref<128x64xf32, #tpu.memory_space<vmem>>) offsets(%dma_start3A_5 : memref<128xi32, #tpu.memory_space<vmem>>) semaphore(%arg14 : memref<!tpu.dma_semaphore, #tpu.memory_space<semaphore_mem>>)
    %dma_start3A_9 = arith.constant 1 : i32
    %dma_start3A_10 = arith.constant 0 : i32
    %dma_start3A_11 = tpu.memref_slice %arg5[%dma_start3A_9, %dma_start3A_10] : memref<200x128xi32, #tpu.memory_space<vmem>> -> memref<1x128xi32, #tpu.memory_space<vmem>>
    %dma_start3A_12 = tpu.memref_squeeze %dma_start3A_11 : memref<1x128xi32, #tpu.memory_space<vmem>> -> memref<128xi32, #tpu.memory_space<vmem>>
    %dma_start3A_13 = arith.constant 0 : i32
    %dma_start3A_14 = arith.constant 0 : i32
    %dma_start3A_15 = tpu.memref_slice %arg3[%dma_start3A_13, %dma_start3A_14] : memref<2000000x64xf32, #tpu.memory_space<hbm>> -> memref<2000000x64xf32, #tpu.memory_space<hbm>>
    tpu.enqueue_indirect_dma source(%dma_start3A_15 : memref<2000000x64xf32, #tpu.memory_space<hbm>>) target(%arg7 : memref<128x64xf32, #tpu.memory_space<vmem>>) offsets(%dma_start3A_12 : memref<128xi32, #tpu.memory_space<vmem>>) semaphore(%arg15 : memref<!tpu.dma_semaphore, #tpu.memory_space<semaphore_mem>>)
    %dma_start3A_16 = arith.constant 2 : i32
    %dma_start3A_17 = arith.constant 0 : i32
    %dma_start3A_18 = tpu.memref_slice %arg5[%dma_start3A_16, %dma_start3A_17] : memref<200x128xi32, #tpu.memory_space<vmem>> -> memref<1x128xi32, #tpu.memory_space<vmem>>
    %dma_start3A_19 = tpu.memref_squeeze %dma_start3A_18 : memref<1x128xi32, #tpu.memory_space<vmem>> -> memref<128xi32, #tpu.memory_space<vmem>>
    %dma_start3A_20 = arith.constant 0 : i32
    %dma_start3A_21 = arith.constant 0 : i32
    %dma_start3A_22 = tpu.memref_slice %arg3[%dma_start3A_20, %dma_start3A_21] : memref<2000000x64xf32, #tpu.memory_space<hbm>> -> memref<2000000x64xf32, #tpu.memory_space<hbm>>
    tpu.enqueue_indirect_dma source(%dma_start3A_22 : memref<2000000x64xf32, #tpu.memory_space<hbm>>) target(%arg8 : memref<128x64xf32, #tpu.memory_space<vmem>>) offsets(%dma_start3A_19 : memref<128xi32, #tpu.memory_space<vmem>>) semaphore(%arg16 : memref<!tpu.dma_semaphore, #tpu.memory_space<semaphore_mem>>)
    %dma_start3A_23 = arith.constant 3 : i32
    %dma_start3A_24 = arith.constant 0 : i32
    %dma_start3A_25 = tpu.memref_slice %arg5[%dma_start3A_23, %dma_start3A_24] : memref<200x128xi32, #tpu.memory_space<vmem>> -> memref<1x128xi32, #tpu.memory_space<vmem>>
    %dma_start3A_26 = tpu.memref_squeeze %dma_start3A_25 : memref<1x128xi32, #tpu.memory_space<vmem>> -> memref<128xi32, #tpu.memory_space<vmem>>
    %dma_start3A_27 = arith.constant 0 : i32
    %dma_start3A_28 = arith.constant 0 : i32
    %dma_start3A_29 = tpu.memref_slice %arg3[%dma_start3A_27, %dma_start3A_28] : memref<2000000x64xf32, #tpu.memory_space<hbm>> -> memref<2000000x64xf32, #tpu.memory_space<hbm>>
    tpu.enqueue_indirect_dma source(%dma_start3A_29 : memref<2000000x64xf32, #tpu.memory_space<hbm>>) target(%arg9 : memref<128x64xf32, #tpu.memory_space<vmem>>) offsets(%dma_start3A_26 : memref<128xi32, #tpu.memory_space<vmem>>) semaphore(%arg17 : memref<!tpu.dma_semaphore, #tpu.memory_space<semaphore_mem>>)
    %dma_start3A_30 = arith.constant 4 : i32
    %dma_start3A_31 = arith.constant 0 : i32
    %dma_start3A_32 = tpu.memref_slice %arg5[%dma_start3A_30, %dma_start3A_31] : memref<200x128xi32, #tpu.memory_space<vmem>> -> memref<1x128xi32, #tpu.memory_space<vmem>>
    %dma_start3A_33 = tpu.memref_squeeze %dma_start3A_32 : memref<1x128xi32, #tpu.memory_space<vmem>> -> memref<128xi32, #tpu.memory_space<vmem>>
    %dma_start3A_34 = arith.constant 0 : i32
    %dma_start3A_35 = arith.constant 0 : i32
    %dma_start3A_36 = tpu.memref_slice %arg3[%dma_start3A_34, %dma_start3A_35] : memref<2000000x64xf32, #tpu.memory_space<hbm>> -> memref<2000000x64xf32, #tpu.memory_space<hbm>>
    tpu.enqueue_indirect_dma source(%dma_start3A_36 : memref<2000000x64xf32, #tpu.memory_space<hbm>>) target(%arg10 : memref<128x64xf32, #tpu.memory_space<vmem>>) offsets(%dma_start3A_33 : memref<128xi32, #tpu.memory_space<vmem>>) semaphore(%arg18 : memref<!tpu.dma_semaphore, #tpu.memory_space<semaphore_mem>>)
    %dma_start3A_37 = arith.constant 5 : i32
    %dma_start3A_38 = arith.constant 0 : i32
    %dma_start3A_39 = tpu.memref_slice %arg5[%dma_start3A_37, %dma_start3A_38] : memref<200x128xi32, #tpu.memory_space<vmem>> -> memref<1x128xi32, #tpu.memory_space<vmem>>
    %dma_start3A_40 = tpu.memref_squeeze %dma_start3A_39 : memref<1x128xi32, #tpu.memory_space<vmem>> -> memref<128xi32, #tpu.memory_space<vmem>>
    %dma_start3A_41 = arith.constant 0 : i32
    %dma_start3A_42 = arith.constant 0 : i32
    %dma_start3A_43 = tpu.memref_slice %arg3[%dma_start3A_41, %dma_start3A_42] : memref<2000000x64xf32, #tpu.memory_space<hbm>> -> memref<2000000x64xf32, #tpu.memory_space<hbm>>
    tpu.enqueue_indirect_dma source(%dma_start3A_43 : memref<2000000x64xf32, #tpu.memory_space<hbm>>) target(%arg11 : memref<128x64xf32, #tpu.memory_space<vmem>>) offsets(%dma_start3A_40 : memref<128xi32, #tpu.memory_space<vmem>>) semaphore(%arg19 : memref<!tpu.dma_semaphore, #tpu.memory_space<semaphore_mem>>)
    %dma_start3A_44 = arith.constant 6 : i32
    %dma_start3A_45 = arith.constant 0 : i32
    %dma_start3A_46 = tpu.memref_slice %arg5[%dma_start3A_44, %dma_start3A_45] : memref<200x128xi32, #tpu.memory_space<vmem>> -> memref<1x128xi32, #tpu.memory_space<vmem>>
    %dma_start3A_47 = tpu.memref_squeeze %dma_start3A_46 : memref<1x128xi32, #tpu.memory_space<vmem>> -> memref<128xi32, #tpu.memory_space<vmem>>
    %dma_start3A_48 = arith.constant 0 : i32
    %dma_start3A_49 = arith.constant 0 : i32
    %dma_start3A_50 = tpu.memref_slice %arg3[%dma_start3A_48, %dma_start3A_49] : memref<2000000x64xf32, #tpu.memory_space<hbm>> -> memref<2000000x64xf32, #tpu.memory_space<hbm>>
    tpu.enqueue_indirect_dma source(%dma_start3A_50 : memref<2000000x64xf32, #tpu.memory_space<hbm>>) target(%arg12 : memref<128x64xf32, #tpu.memory_space<vmem>>) offsets(%dma_start3A_47 : memref<128xi32, #tpu.memory_space<vmem>>) semaphore(%arg20 : memref<!tpu.dma_semaphore, #tpu.memory_space<semaphore_mem>>)
    %dma_wait3A = arith.constant 0 : i32
    %dma_wait3A_51 = arith.constant 0 : i32
    %dma_wait3A_52 = tpu.memref_slice %arg5[%dma_wait3A, %dma_wait3A_51] : memref<200x128xi32, #tpu.memory_space<vmem>> -> memref<1x128xi32, #tpu.memory_space<vmem>>
    %dma_wait3A_53 = tpu.memref_squeeze %dma_wait3A_52 : memref<1x128xi32, #tpu.memory_space<vmem>> -> memref<128xi32, #tpu.memory_space<vmem>>
    %dma_wait3A_54 = arith.constant 0 : i32
    %dma_wait3A_55 = arith.constant 0 : i32
    %dma_wait3A_56 = tpu.memref_slice %arg3[%dma_wait3A_54, %dma_wait3A_55] : memref<2000000x64xf32, #tpu.memory_space<hbm>> -> memref<2000000x64xf32, #tpu.memory_space<hbm>>
    tpu.wait_indirect_dma semaphore(%arg14 : memref<!tpu.dma_semaphore, #tpu.memory_space<semaphore_mem>>) src(%dma_wait3A_56 : memref<2000000x64xf32, #tpu.memory_space<hbm>>) dst(%arg6 : memref<128x64xf32, #tpu.memory_space<vmem>>)
    %add3A_57 = arith.constant 0 : i32
    %add3A_58 = arith.addi %mul3A_2, %add3A_57 : i32
    %dma_start3A_59 = arith.constant 0 : i32
    %dma_start3A_60 = tpu.memref_slice %arg4[%add3A_58, %dma_start3A_59] : memref<819200x128xf32, #tpu.memory_space<hbm>> -> memref<128x64xf32, #tpu.memory_space<hbm>>
    %dma_start3A_61 = arith.constant 0 : i32
    %dma_start3A_62 = tpu.memref_slice %arg4[%add3A_58, %dma_start3A_61] : memref<819200x128xf32, #tpu.memory_space<hbm>> -> memref<128x64xf32, #tpu.memory_space<hbm>>
    tpu.enqueue_dma source(%arg6 : memref<128x64xf32, #tpu.memory_space<vmem>>) target(%dma_start3A_62 : memref<128x64xf32, #tpu.memory_space<hbm>>) target_semaphore(%arg22 : memref<!tpu.dma_semaphore, #tpu.memory_space<semaphore_mem>>)
    %dma_start3A_63 = arith.constant 7 : i32
    %dma_start3A_64 = arith.constant 0 : i32
    %dma_start3A_65 = tpu.memref_slice %arg5[%dma_start3A_63, %dma_start3A_64] : memref<200x128xi32, #tpu.memory_space<vmem>> -> memref<1x128xi32, #tpu.memory_space<vmem>>
    %dma_start3A_66 = tpu.memref_squeeze %dma_start3A_65 : memref<1x128xi32, #tpu.memory_space<vmem>> -> memref<128xi32, #tpu.memory_space<vmem>>
    %dma_start3A_67 = arith.constant 0 : i32
    %dma_start3A_68 = arith.constant 0 : i32
    %dma_start3A_69 = tpu.memref_slice %arg3[%dma_start3A_67, %dma_start3A_68] : memref<2000000x64xf32, #tpu.memory_space<hbm>> -> memref<2000000x64xf32, #tpu.memory_space<hbm>>
    tpu.enqueue_indirect_dma source(%dma_start3A_69 : memref<2000000x64xf32, #tpu.memory_space<hbm>>) target(%arg13 : memref<128x64xf32, #tpu.memory_space<vmem>>) offsets(%dma_start3A_66 : memref<128xi32, #tpu.memory_space<vmem>>) semaphore(%arg21 : memref<!tpu.dma_semaphore, #tpu.memory_space<semaphore_mem>>)
    %scan3A = arith.constant 0 : i32
    %scan3A_70 = arith.constant 0 : i32
    %scan3A_71 = arith.constant 24 : i32
    %scan3A_72 = arith.addi %scan3A_70, %scan3A_71 : i32
    %scan3A_73 = arith.constant 1 : i32
    %scan3A_74 = scf.for %scan3A_199 = %scan3A_70 to %scan3A_72 step %scan3A_73 iter_args(%scan3A_200 = %scan3A) -> (i32)  : i32 {
      %mul3A_201 = arith.constant 8 : i32
      %mul3A_202 = arith.muli %scan3A_199, %mul3A_201 : i32
      %add3A_203 = arith.constant 1 : i32
      %add3A_204 = arith.addi %add3A_203, %mul3A_202 : i32
      %add3A_205 = arith.constant 0 : i32
      %add3A_206 = arith.addi %add3A_204, %add3A_205 : i32
      %dma_wait3A_207 = arith.constant 0 : i32
      %dma_wait3A_208 = arith.constant 0 : i32
      %dma_wait3A_209 = tpu.memref_slice %arg5[%dma_wait3A_207, %dma_wait3A_208] : memref<200x128xi32, #tpu.memory_space<vmem>> -> memref<1x128xi32, #tpu.memory_space<vmem>>
      %dma_wait3A_210 = tpu.memref_squeeze %dma_wait3A_209 : memref<1x128xi32, #tpu.memory_space<vmem>> -> memref<128xi32, #tpu.memory_space<vmem>>
      %dma_wait3A_211 = arith.constant 0 : i32
      %dma_wait3A_212 = arith.constant 0 : i32
      %dma_wait3A_213 = tpu.memref_slice %arg3[%dma_wait3A_211, %dma_wait3A_212] : memref<2000000x64xf32, #tpu.memory_space<hbm>> -> memref<2000000x64xf32, #tpu.memory_space<hbm>>
      tpu.wait_indirect_dma semaphore(%arg15 : memref<!tpu.dma_semaphore, #tpu.memory_space<semaphore_mem>>) src(%dma_wait3A_213 : memref<2000000x64xf32, #tpu.memory_space<hbm>>) dst(%arg7 : memref<128x64xf32, #tpu.memory_space<vmem>>)
      %mul3A_214 = arith.constant 128 : i32
      %mul3A_215 = arith.muli %add3A_206, %mul3A_214 : i32
      %add3A_216 = arith.addi %mul3A_2, %mul3A_215 : i32
      %dma_start3A_217 = arith.constant 0 : i32
      %dma_start3A_218 = tpu.memref_slice %arg4[%add3A_216, %dma_start3A_217] : memref<819200x128xf32, #tpu.memory_space<hbm>> -> memref<128x64xf32, #tpu.memory_space<hbm>>
      %dma_start3A_219 = arith.constant 0 : i32
      %dma_start3A_220 = tpu.memref_slice %arg4[%add3A_216, %dma_start3A_219] : memref<819200x128xf32, #tpu.memory_space<hbm>> -> memref<128x64xf32, #tpu.memory_space<hbm>>
      tpu.enqueue_dma source(%arg7 : memref<128x64xf32, #tpu.memory_space<vmem>>) target(%dma_start3A_220 : memref<128x64xf32, #tpu.memory_space<hbm>>) target_semaphore(%arg23 : memref<!tpu.dma_semaphore, #tpu.memory_space<semaphore_mem>>)
      %dma_wait3A_221 = arith.constant 0 : i32
      %dma_wait3A_222 = tpu.memref_slice %arg4[%mul3A_2, %dma_wait3A_221] : memref<819200x128xf32, #tpu.memory_space<hbm>> -> memref<128x64xf32, #tpu.memory_space<hbm>>
      %dma_wait3A_223 = arith.constant 0 : i32
      %dma_wait3A_224 = tpu.memref_slice %arg4[%mul3A_2, %dma_wait3A_223] : memref<819200x128xf32, #tpu.memory_space<hbm>> -> memref<128x64xf32, #tpu.memory_space<hbm>>
      tpu.wait_dma2 semaphore(%arg22 : memref<!tpu.dma_semaphore, #tpu.memory_space<semaphore_mem>>) src(%arg6 : memref<128x64xf32, #tpu.memory_space<vmem>>) dst(%dma_wait3A_224 : memref<128x64xf32, #tpu.memory_space<hbm>>)
      %add3A_225 = arith.constant 7 : i32
      %add3A_226 = arith.addi %add3A_206, %add3A_225 : i32
      %dma_start3A_227 = arith.constant 0 : i32
      %dma_start3A_228 = tpu.memref_slice %arg5[%add3A_226, %dma_start3A_227] : memref<200x128xi32, #tpu.memory_space<vmem>> -> memref<1x128xi32, #tpu.memory_space<vmem>>
      %dma_start3A_229 = tpu.memref_squeeze %dma_start3A_228 : memref<1x128xi32, #tpu.memory_space<vmem>> -> memref<128xi32, #tpu.memory_space<vmem>>
      %dma_start3A_230 = arith.constant 0 : i32
      %dma_start3A_231 = arith.constant 0 : i32
      %dma_start3A_232 = tpu.memref_slice %arg3[%dma_start3A_230, %dma_start3A_231] : memref<2000000x64xf32, #tpu.memory_space<hbm>> -> memref<2000000x64xf32, #tpu.memory_space<hbm>>
      tpu.enqueue_indirect_dma source(%dma_start3A_232 : memref<2000000x64xf32, #tpu.memory_space<hbm>>) target(%arg6 : memref<128x64xf32, #tpu.memory_space<vmem>>) offsets(%dma_start3A_229 : memref<128xi32, #tpu.memory_space<vmem>>) semaphore(%arg14 : memref<!tpu.dma_semaphore, #tpu.memory_space<semaphore_mem>>)
      %add3A_233 = arith.constant 1 : i32
      %add3A_234 = arith.addi %add3A_204, %add3A_233 : i32
      %dma_wait3A_235 = arith.constant 0 : i32
      %dma_wait3A_236 = arith.constant 0 : i32
      %dma_wait3A_237 = tpu.memref_slice %arg5[%dma_wait3A_235, %dma_wait3A_236] : memref<200x128xi32, #tpu.memory_space<vmem>> -> memref<1x128xi32, #tpu.memory_space<vmem>>
      %dma_wait3A_238 = tpu.memref_squeeze %dma_wait3A_237 : memref<1x128xi32, #tpu.memory_space<vmem>> -> memref<128xi32, #tpu.memory_space<vmem>>
      %dma_wait3A_239 = arith.constant 0 : i32
      %dma_wait3A_240 = arith.constant 0 : i32
      %dma_wait3A_241 = tpu.memref_slice %arg3[%dma_wait3A_239, %dma_wait3A_240] : memref<2000000x64xf32, #tpu.memory_space<hbm>> -> memref<2000000x64xf32, #tpu.memory_space<hbm>>
      tpu.wait_indirect_dma semaphore(%arg16 : memref<!tpu.dma_semaphore, #tpu.memory_space<semaphore_mem>>) src(%dma_wait3A_241 : memref<2000000x64xf32, #tpu.memory_space<hbm>>) dst(%arg8 : memref<128x64xf32, #tpu.memory_space<vmem>>)
      %mul3A_242 = arith.constant 128 : i32
      %mul3A_243 = arith.muli %add3A_234, %mul3A_242 : i32
      %add3A_244 = arith.addi %mul3A_2, %mul3A_243 : i32
      %dma_start3A_245 = arith.constant 0 : i32
      %dma_start3A_246 = tpu.memref_slice %arg4[%add3A_244, %dma_start3A_245] : memref<819200x128xf32, #tpu.memory_space<hbm>> -> memref<128x64xf32, #tpu.memory_space<hbm>>
      %dma_start3A_247 = arith.constant 0 : i32
      %dma_start3A_248 = tpu.memref_slice %arg4[%add3A_244, %dma_start3A_247] : memref<819200x128xf32, #tpu.memory_space<hbm>> -> memref<128x64xf32, #tpu.memory_space<hbm>>
      tpu.enqueue_dma source(%arg8 : memref<128x64xf32, #tpu.memory_space<vmem>>) target(%dma_start3A_248 : memref<128x64xf32, #tpu.memory_space<hbm>>) target_semaphore(%arg24 : memref<!tpu.dma_semaphore, #tpu.memory_space<semaphore_mem>>)
      %dma_wait3A_249 = arith.constant 0 : i32
      %dma_wait3A_250 = tpu.memref_slice %arg4[%mul3A_2, %dma_wait3A_249] : memref<819200x128xf32, #tpu.memory_space<hbm>> -> memref<128x64xf32, #tpu.memory_space<hbm>>
      %dma_wait3A_251 = arith.constant 0 : i32
      %dma_wait3A_252 = tpu.memref_slice %arg4[%mul3A_2, %dma_wait3A_251] : memref<819200x128xf32, #tpu.memory_space<hbm>> -> memref<128x64xf32, #tpu.memory_space<hbm>>
      tpu.wait_dma2 semaphore(%arg23 : memref<!tpu.dma_semaphore, #tpu.memory_space<semaphore_mem>>) src(%arg7 : memref<128x64xf32, #tpu.memory_space<vmem>>) dst(%dma_wait3A_252 : memref<128x64xf32, #tpu.memory_space<hbm>>)
      %add3A_253 = arith.constant 7 : i32
      %add3A_254 = arith.addi %add3A_234, %add3A_253 : i32
      %dma_start3A_255 = arith.constant 0 : i32
      %dma_start3A_256 = tpu.memref_slice %arg5[%add3A_254, %dma_start3A_255] : memref<200x128xi32, #tpu.memory_space<vmem>> -> memref<1x128xi32, #tpu.memory_space<vmem>>
      %dma_start3A_257 = tpu.memref_squeeze %dma_start3A_256 : memref<1x128xi32, #tpu.memory_space<vmem>> -> memref<128xi32, #tpu.memory_space<vmem>>
      %dma_start3A_258 = arith.constant 0 : i32
      %dma_start3A_259 = arith.constant 0 : i32
      %dma_start3A_260 = tpu.memref_slice %arg3[%dma_start3A_258, %dma_start3A_259] : memref<2000000x64xf32, #tpu.memory_space<hbm>> -> memref<2000000x64xf32, #tpu.memory_space<hbm>>
      tpu.enqueue_indirect_dma source(%dma_start3A_260 : memref<2000000x64xf32, #tpu.memory_space<hbm>>) target(%arg7 : memref<128x64xf32, #tpu.memory_space<vmem>>) offsets(%dma_start3A_257 : memref<128xi32, #tpu.memory_space<vmem>>) semaphore(%arg15 : memref<!tpu.dma_semaphore, #tpu.memory_space<semaphore_mem>>)
      %add3A_261 = arith.constant 2 : i32
      %add3A_262 = arith.addi %add3A_204, %add3A_261 : i32
      %dma_wait3A_263 = arith.constant 0 : i32
      %dma_wait3A_264 = arith.constant 0 : i32
      %dma_wait3A_265 = tpu.memref_slice %arg5[%dma_wait3A_263, %dma_wait3A_264] : memref<200x128xi32, #tpu.memory_space<vmem>> -> memref<1x128xi32, #tpu.memory_space<vmem>>
      %dma_wait3A_266 = tpu.memref_squeeze %dma_wait3A_265 : memref<1x128xi32, #tpu.memory_space<vmem>> -> memref<128xi32, #tpu.memory_space<vmem>>
      %dma_wait3A_267 = arith.constant 0 : i32
      %dma_wait3A_268 = arith.constant 0 : i32
      %dma_wait3A_269 = tpu.memref_slice %arg3[%dma_wait3A_267, %dma_wait3A_268] : memref<2000000x64xf32, #tpu.memory_space<hbm>> -> memref<2000000x64xf32, #tpu.memory_space<hbm>>
      tpu.wait_indirect_dma semaphore(%arg17 : memref<!tpu.dma_semaphore, #tpu.memory_space<semaphore_mem>>) src(%dma_wait3A_269 : memref<2000000x64xf32, #tpu.memory_space<hbm>>) dst(%arg9 : memref<128x64xf32, #tpu.memory_space<vmem>>)
      %mul3A_270 = arith.constant 128 : i32
      %mul3A_271 = arith.muli %add3A_262, %mul3A_270 : i32
      %add3A_272 = arith.addi %mul3A_2, %mul3A_271 : i32
      %dma_start3A_273 = arith.constant 0 : i32
      %dma_start3A_274 = tpu.memref_slice %arg4[%add3A_272, %dma_start3A_273] : memref<819200x128xf32, #tpu.memory_space<hbm>> -> memref<128x64xf32, #tpu.memory_space<hbm>>
      %dma_start3A_275 = arith.constant 0 : i32
      %dma_start3A_276 = tpu.memref_slice %arg4[%add3A_272, %dma_start3A_275] : memref<819200x128xf32, #tpu.memory_space<hbm>> -> memref<128x64xf32, #tpu.memory_space<hbm>>
      tpu.enqueue_dma source(%arg9 : memref<128x64xf32, #tpu.memory_space<vmem>>) target(%dma_start3A_276 : memref<128x64xf32, #tpu.memory_space<hbm>>) target_semaphore(%arg25 : memref<!tpu.dma_semaphore, #tpu.memory_space<semaphore_mem>>)
      %dma_wait3A_277 = arith.constant 0 : i32
      %dma_wait3A_278 = tpu.memref_slice %arg4[%mul3A_2, %dma_wait3A_277] : memref<819200x128xf32, #tpu.memory_space<hbm>> -> memref<128x64xf32, #tpu.memory_space<hbm>>
      %dma_wait3A_279 = arith.constant 0 : i32
      %dma_wait3A_280 = tpu.memref_slice %arg4[%mul3A_2, %dma_wait3A_279] : memref<819200x128xf32, #tpu.memory_space<hbm>> -> memref<128x64xf32, #tpu.memory_space<hbm>>
      tpu.wait_dma2 semaphore(%arg24 : memref<!tpu.dma_semaphore, #tpu.memory_space<semaphore_mem>>) src(%arg8 : memref<128x64xf32, #tpu.memory_space<vmem>>) dst(%dma_wait3A_280 : memref<128x64xf32, #tpu.memory_space<hbm>>)
      %add3A_281 = arith.constant 7 : i32
      %add3A_282 = arith.addi %add3A_262, %add3A_281 : i32
      %dma_start3A_283 = arith.constant 0 : i32
      %dma_start3A_284 = tpu.memref_slice %arg5[%add3A_282, %dma_start3A_283] : memref<200x128xi32, #tpu.memory_space<vmem>> -> memref<1x128xi32, #tpu.memory_space<vmem>>
      %dma_start3A_285 = tpu.memref_squeeze %dma_start3A_284 : memref<1x128xi32, #tpu.memory_space<vmem>> -> memref<128xi32, #tpu.memory_space<vmem>>
      %dma_start3A_286 = arith.constant 0 : i32
      %dma_start3A_287 = arith.constant 0 : i32
      %dma_start3A_288 = tpu.memref_slice %arg3[%dma_start3A_286, %dma_start3A_287] : memref<2000000x64xf32, #tpu.memory_space<hbm>> -> memref<2000000x64xf32, #tpu.memory_space<hbm>>
      tpu.enqueue_indirect_dma source(%dma_start3A_288 : memref<2000000x64xf32, #tpu.memory_space<hbm>>) target(%arg8 : memref<128x64xf32, #tpu.memory_space<vmem>>) offsets(%dma_start3A_285 : memref<128xi32, #tpu.memory_space<vmem>>) semaphore(%arg16 : memref<!tpu.dma_semaphore, #tpu.memory_space<semaphore_mem>>)
      %add3A_289 = arith.constant 3 : i32
      %add3A_290 = arith.addi %add3A_204, %add3A_289 : i32
      %dma_wait3A_291 = arith.constant 0 : i32
      %dma_wait3A_292 = arith.constant 0 : i32
      %dma_wait3A_293 = tpu.memref_slice %arg5[%dma_wait3A_291, %dma_wait3A_292] : memref<200x128xi32, #tpu.memory_space<vmem>> -> memref<1x128xi32, #tpu.memory_space<vmem>>
      %dma_wait3A_294 = tpu.memref_squeeze %dma_wait3A_293 : memref<1x128xi32, #tpu.memory_space<vmem>> -> memref<128xi32, #tpu.memory_space<vmem>>
      %dma_wait3A_295 = arith.constant 0 : i32
      %dma_wait3A_296 = arith.constant 0 : i32
      %dma_wait3A_297 = tpu.memref_slice %arg3[%dma_wait3A_295, %dma_wait3A_296] : memref<2000000x64xf32, #tpu.memory_space<hbm>> -> memref<2000000x64xf32, #tpu.memory_space<hbm>>
      tpu.wait_indirect_dma semaphore(%arg18 : memref<!tpu.dma_semaphore, #tpu.memory_space<semaphore_mem>>) src(%dma_wait3A_297 : memref<2000000x64xf32, #tpu.memory_space<hbm>>) dst(%arg10 : memref<128x64xf32, #tpu.memory_space<vmem>>)
      %mul3A_298 = arith.constant 128 : i32
      %mul3A_299 = arith.muli %add3A_290, %mul3A_298 : i32
      %add3A_300 = arith.addi %mul3A_2, %mul3A_299 : i32
      %dma_start3A_301 = arith.constant 0 : i32
      %dma_start3A_302 = tpu.memref_slice %arg4[%add3A_300, %dma_start3A_301] : memref<819200x128xf32, #tpu.memory_space<hbm>> -> memref<128x64xf32, #tpu.memory_space<hbm>>
      %dma_start3A_303 = arith.constant 0 : i32
      %dma_start3A_304 = tpu.memref_slice %arg4[%add3A_300, %dma_start3A_303] : memref<819200x128xf32, #tpu.memory_space<hbm>> -> memref<128x64xf32, #tpu.memory_space<hbm>>
      tpu.enqueue_dma source(%arg10 : memref<128x64xf32, #tpu.memory_space<vmem>>) target(%dma_start3A_304 : memref<128x64xf32, #tpu.memory_space<hbm>>) target_semaphore(%arg26 : memref<!tpu.dma_semaphore, #tpu.memory_space<semaphore_mem>>)
      %dma_wait3A_305 = arith.constant 0 : i32
      %dma_wait3A_306 = tpu.memref_slice %arg4[%mul3A_2, %dma_wait3A_305] : memref<819200x128xf32, #tpu.memory_space<hbm>> -> memref<128x64xf32, #tpu.memory_space<hbm>>
      %dma_wait3A_307 = arith.constant 0 : i32
      %dma_wait3A_308 = tpu.memref_slice %arg4[%mul3A_2, %dma_wait3A_307] : memref<819200x128xf32, #tpu.memory_space<hbm>> -> memref<128x64xf32, #tpu.memory_space<hbm>>
      tpu.wait_dma2 semaphore(%arg25 : memref<!tpu.dma_semaphore, #tpu.memory_space<semaphore_mem>>) src(%arg9 : memref<128x64xf32, #tpu.memory_space<vmem>>) dst(%dma_wait3A_308 : memref<128x64xf32, #tpu.memory_space<hbm>>)
      %add3A_309 = arith.constant 7 : i32
      %add3A_310 = arith.addi %add3A_290, %add3A_309 : i32
      %dma_start3A_311 = arith.constant 0 : i32
      %dma_start3A_312 = tpu.memref_slice %arg5[%add3A_310, %dma_start3A_311] : memref<200x128xi32, #tpu.memory_space<vmem>> -> memref<1x128xi32, #tpu.memory_space<vmem>>
      %dma_start3A_313 = tpu.memref_squeeze %dma_start3A_312 : memref<1x128xi32, #tpu.memory_space<vmem>> -> memref<128xi32, #tpu.memory_space<vmem>>
      %dma_start3A_314 = arith.constant 0 : i32
      %dma_start3A_315 = arith.constant 0 : i32
      %dma_start3A_316 = tpu.memref_slice %arg3[%dma_start3A_314, %dma_start3A_315] : memref<2000000x64xf32, #tpu.memory_space<hbm>> -> memref<2000000x64xf32, #tpu.memory_space<hbm>>
      tpu.enqueue_indirect_dma source(%dma_start3A_316 : memref<2000000x64xf32, #tpu.memory_space<hbm>>) target(%arg9 : memref<128x64xf32, #tpu.memory_space<vmem>>) offsets(%dma_start3A_313 : memref<128xi32, #tpu.memory_space<vmem>>) semaphore(%arg17 : memref<!tpu.dma_semaphore, #tpu.memory_space<semaphore_mem>>)
      %add3A_317 = arith.constant 4 : i32
      %add3A_318 = arith.addi %add3A_204, %add3A_317 : i32
      %dma_wait3A_319 = arith.constant 0 : i32
      %dma_wait3A_320 = arith.constant 0 : i32
      %dma_wait3A_321 = tpu.memref_slice %arg5[%dma_wait3A_319, %dma_wait3A_320] : memref<200x128xi32, #tpu.memory_space<vmem>> -> memref<1x128xi32, #tpu.memory_space<vmem>>
      %dma_wait3A_322 = tpu.memref_squeeze %dma_wait3A_321 : memref<1x128xi32, #tpu.memory_space<vmem>> -> memref<128xi32, #tpu.memory_space<vmem>>
      %dma_wait3A_323 = arith.constant 0 : i32
      %dma_wait3A_324 = arith.constant 0 : i32
      %dma_wait3A_325 = tpu.memref_slice %arg3[%dma_wait3A_323, %dma_wait3A_324] : memref<2000000x64xf32, #tpu.memory_space<hbm>> -> memref<2000000x64xf32, #tpu.memory_space<hbm>>
      tpu.wait_indirect_dma semaphore(%arg19 : memref<!tpu.dma_semaphore, #tpu.memory_space<semaphore_mem>>) src(%dma_wait3A_325 : memref<2000000x64xf32, #tpu.memory_space<hbm>>) dst(%arg11 : memref<128x64xf32, #tpu.memory_space<vmem>>)
      %mul3A_326 = arith.constant 128 : i32
      %mul3A_327 = arith.muli %add3A_318, %mul3A_326 : i32
      %add3A_328 = arith.addi %mul3A_2, %mul3A_327 : i32
      %dma_start3A_329 = arith.constant 0 : i32
      %dma_start3A_330 = tpu.memref_slice %arg4[%add3A_328, %dma_start3A_329] : memref<819200x128xf32, #tpu.memory_space<hbm>> -> memref<128x64xf32, #tpu.memory_space<hbm>>
      %dma_start3A_331 = arith.constant 0 : i32
      %dma_start3A_332 = tpu.memref_slice %arg4[%add3A_328, %dma_start3A_331] : memref<819200x128xf32, #tpu.memory_space<hbm>> -> memref<128x64xf32, #tpu.memory_space<hbm>>
      tpu.enqueue_dma source(%arg11 : memref<128x64xf32, #tpu.memory_space<vmem>>) target(%dma_start3A_332 : memref<128x64xf32, #tpu.memory_space<hbm>>) target_semaphore(%arg27 : memref<!tpu.dma_semaphore, #tpu.memory_space<semaphore_mem>>)
      %dma_wait3A_333 = arith.constant 0 : i32
      %dma_wait3A_334 = tpu.memref_slice %arg4[%mul3A_2, %dma_wait3A_333] : memref<819200x128xf32, #tpu.memory_space<hbm>> -> memref<128x64xf32, #tpu.memory_space<hbm>>
      %dma_wait3A_335 = arith.constant 0 : i32
      %dma_wait3A_336 = tpu.memref_slice %arg4[%mul3A_2, %dma_wait3A_335] : memref<819200x128xf32, #tpu.memory_space<hbm>> -> memref<128x64xf32, #tpu.memory_space<hbm>>
      tpu.wait_dma2 semaphore(%arg26 : memref<!tpu.dma_semaphore, #tpu.memory_space<semaphore_mem>>) src(%arg10 : memref<128x64xf32, #tpu.memory_space<vmem>>) dst(%dma_wait3A_336 : memref<128x64xf32, #tpu.memory_space<hbm>>)
      %add3A_337 = arith.constant 7 : i32
      %add3A_338 = arith.addi %add3A_318, %add3A_337 : i32
      %dma_start3A_339 = arith.constant 0 : i32
      %dma_start3A_340 = tpu.memref_slice %arg5[%add3A_338, %dma_start3A_339] : memref<200x128xi32, #tpu.memory_space<vmem>> -> memref<1x128xi32, #tpu.memory_space<vmem>>
      %dma_start3A_341 = tpu.memref_squeeze %dma_start3A_340 : memref<1x128xi32, #tpu.memory_space<vmem>> -> memref<128xi32, #tpu.memory_space<vmem>>
      %dma_start3A_342 = arith.constant 0 : i32
      %dma_start3A_343 = arith.constant 0 : i32
      %dma_start3A_344 = tpu.memref_slice %arg3[%dma_start3A_342, %dma_start3A_343] : memref<2000000x64xf32, #tpu.memory_space<hbm>> -> memref<2000000x64xf32, #tpu.memory_space<hbm>>
      tpu.enqueue_indirect_dma source(%dma_start3A_344 : memref<2000000x64xf32, #tpu.memory_space<hbm>>) target(%arg10 : memref<128x64xf32, #tpu.memory_space<vmem>>) offsets(%dma_start3A_341 : memref<128xi32, #tpu.memory_space<vmem>>) semaphore(%arg18 : memref<!tpu.dma_semaphore, #tpu.memory_space<semaphore_mem>>)
      %add3A_345 = arith.constant 5 : i32
      %add3A_346 = arith.addi %add3A_204, %add3A_345 : i32
      %dma_wait3A_347 = arith.constant 0 : i32
      %dma_wait3A_348 = arith.constant 0 : i32
      %dma_wait3A_349 = tpu.memref_slice %arg5[%dma_wait3A_347, %dma_wait3A_348] : memref<200x128xi32, #tpu.memory_space<vmem>> -> memref<1x128xi32, #tpu.memory_space<vmem>>
      %dma_wait3A_350 = tpu.memref_squeeze %dma_wait3A_349 : memref<1x128xi32, #tpu.memory_space<vmem>> -> memref<128xi32, #tpu.memory_space<vmem>>
      %dma_wait3A_351 = arith.constant 0 : i32
      %dma_wait3A_352 = arith.constant 0 : i32
      %dma_wait3A_353 = tpu.memref_slice %arg3[%dma_wait3A_351, %dma_wait3A_352] : memref<2000000x64xf32, #tpu.memory_space<hbm>> -> memref<2000000x64xf32, #tpu.memory_space<hbm>>
      tpu.wait_indirect_dma semaphore(%arg20 : memref<!tpu.dma_semaphore, #tpu.memory_space<semaphore_mem>>) src(%dma_wait3A_353 : memref<2000000x64xf32, #tpu.memory_space<hbm>>) dst(%arg12 : memref<128x64xf32, #tpu.memory_space<vmem>>)
      %mul3A_354 = arith.constant 128 : i32
      %mul3A_355 = arith.muli %add3A_346, %mul3A_354 : i32
      %add3A_356 = arith.addi %mul3A_2, %mul3A_355 : i32
      %dma_start3A_357 = arith.constant 0 : i32
      %dma_start3A_358 = tpu.memref_slice %arg4[%add3A_356, %dma_start3A_357] : memref<819200x128xf32, #tpu.memory_space<hbm>> -> memref<128x64xf32, #tpu.memory_space<hbm>>
      %dma_start3A_359 = arith.constant 0 : i32
      %dma_start3A_360 = tpu.memref_slice %arg4[%add3A_356, %dma_start3A_359] : memref<819200x128xf32, #tpu.memory_space<hbm>> -> memref<128x64xf32, #tpu.memory_space<hbm>>
      tpu.enqueue_dma source(%arg12 : memref<128x64xf32, #tpu.memory_space<vmem>>) target(%dma_start3A_360 : memref<128x64xf32, #tpu.memory_space<hbm>>) target_semaphore(%arg28 : memref<!tpu.dma_semaphore, #tpu.memory_space<semaphore_mem>>)
      %dma_wait3A_361 = arith.constant 0 : i32
      %dma_wait3A_362 = tpu.memref_slice %arg4[%mul3A_2, %dma_wait3A_361] : memref<819200x128xf32, #tpu.memory_space<hbm>> -> memref<128x64xf32, #tpu.memory_space<hbm>>
      %dma_wait3A_363 = arith.constant 0 : i32
      %dma_wait3A_364 = tpu.memref_slice %arg4[%mul3A_2, %dma_wait3A_363] : memref<819200x128xf32, #tpu.memory_space<hbm>> -> memref<128x64xf32, #tpu.memory_space<hbm>>
      tpu.wait_dma2 semaphore(%arg27 : memref<!tpu.dma_semaphore, #tpu.memory_space<semaphore_mem>>) src(%arg11 : memref<128x64xf32, #tpu.memory_space<vmem>>) dst(%dma_wait3A_364 : memref<128x64xf32, #tpu.memory_space<hbm>>)
      %add3A_365 = arith.constant 7 : i32
      %add3A_366 = arith.addi %add3A_346, %add3A_365 : i32
      %dma_start3A_367 = arith.constant 0 : i32
      %dma_start3A_368 = tpu.memref_slice %arg5[%add3A_366, %dma_start3A_367] : memref<200x128xi32, #tpu.memory_space<vmem>> -> memref<1x128xi32, #tpu.memory_space<vmem>>
      %dma_start3A_369 = tpu.memref_squeeze %dma_start3A_368 : memref<1x128xi32, #tpu.memory_space<vmem>> -> memref<128xi32, #tpu.memory_space<vmem>>
      %dma_start3A_370 = arith.constant 0 : i32
      %dma_start3A_371 = arith.constant 0 : i32
      %dma_start3A_372 = tpu.memref_slice %arg3[%dma_start3A_370, %dma_start3A_371] : memref<2000000x64xf32, #tpu.memory_space<hbm>> -> memref<2000000x64xf32, #tpu.memory_space<hbm>>
      tpu.enqueue_indirect_dma source(%dma_start3A_372 : memref<2000000x64xf32, #tpu.memory_space<hbm>>) target(%arg11 : memref<128x64xf32, #tpu.memory_space<vmem>>) offsets(%dma_start3A_369 : memref<128xi32, #tpu.memory_space<vmem>>) semaphore(%arg19 : memref<!tpu.dma_semaphore, #tpu.memory_space<semaphore_mem>>)
      %add3A_373 = arith.constant 6 : i32
      %add3A_374 = arith.addi %add3A_204, %add3A_373 : i32
      %dma_wait3A_375 = arith.constant 0 : i32
      %dma_wait3A_376 = arith.constant 0 : i32
      %dma_wait3A_377 = tpu.memref_slice %arg5[%dma_wait3A_375, %dma_wait3A_376] : memref<200x128xi32, #tpu.memory_space<vmem>> -> memref<1x128xi32, #tpu.memory_space<vmem>>
      %dma_wait3A_378 = tpu.memref_squeeze %dma_wait3A_377 : memref<1x128xi32, #tpu.memory_space<vmem>> -> memref<128xi32, #tpu.memory_space<vmem>>
      %dma_wait3A_379 = arith.constant 0 : i32
      %dma_wait3A_380 = arith.constant 0 : i32
      %dma_wait3A_381 = tpu.memref_slice %arg3[%dma_wait3A_379, %dma_wait3A_380] : memref<2000000x64xf32, #tpu.memory_space<hbm>> -> memref<2000000x64xf32, #tpu.memory_space<hbm>>
      tpu.wait_indirect_dma semaphore(%arg21 : memref<!tpu.dma_semaphore, #tpu.memory_space<semaphore_mem>>) src(%dma_wait3A_381 : memref<2000000x64xf32, #tpu.memory_space<hbm>>) dst(%arg13 : memref<128x64xf32, #tpu.memory_space<vmem>>)
      %mul3A_382 = arith.constant 128 : i32
      %mul3A_383 = arith.muli %add3A_374, %mul3A_382 : i32
      %add3A_384 = arith.addi %mul3A_2, %mul3A_383 : i32
      %dma_start3A_385 = arith.constant 0 : i32
      %dma_start3A_386 = tpu.memref_slice %arg4[%add3A_384, %dma_start3A_385] : memref<819200x128xf32, #tpu.memory_space<hbm>> -> memref<128x64xf32, #tpu.memory_space<hbm>>
      %dma_start3A_387 = arith.constant 0 : i32
      %dma_start3A_388 = tpu.memref_slice %arg4[%add3A_384, %dma_start3A_387] : memref<819200x128xf32, #tpu.memory_space<hbm>> -> memref<128x64xf32, #tpu.memory_space<hbm>>
      tpu.enqueue_dma source(%arg13 : memref<128x64xf32, #tpu.memory_space<vmem>>) target(%dma_start3A_388 : memref<128x64xf32, #tpu.memory_space<hbm>>) target_semaphore(%arg29 : memref<!tpu.dma_semaphore, #tpu.memory_space<semaphore_mem>>)
      %dma_wait3A_389 = arith.constant 0 : i32
      %dma_wait3A_390 = tpu.memref_slice %arg4[%mul3A_2, %dma_wait3A_389] : memref<819200x128xf32, #tpu.memory_space<hbm>> -> memref<128x64xf32, #tpu.memory_space<hbm>>
      %dma_wait3A_391 = arith.constant 0 : i32
      %dma_wait3A_392 = tpu.memref_slice %arg4[%mul3A_2, %dma_wait3A_391] : memref<819200x128xf32, #tpu.memory_space<hbm>> -> memref<128x64xf32, #tpu.memory_space<hbm>>
      tpu.wait_dma2 semaphore(%arg28 : memref<!tpu.dma_semaphore, #tpu.memory_space<semaphore_mem>>) src(%arg12 : memref<128x64xf32, #tpu.memory_space<vmem>>) dst(%dma_wait3A_392 : memref<128x64xf32, #tpu.memory_space<hbm>>)
      %add3A_393 = arith.constant 7 : i32
      %add3A_394 = arith.addi %add3A_374, %add3A_393 : i32
      %dma_start3A_395 = arith.constant 0 : i32
      %dma_start3A_396 = tpu.memref_slice %arg5[%add3A_394, %dma_start3A_395] : memref<200x128xi32, #tpu.memory_space<vmem>> -> memref<1x128xi32, #tpu.memory_space<vmem>>
      %dma_start3A_397 = tpu.memref_squeeze %dma_start3A_396 : memref<1x128xi32, #tpu.memory_space<vmem>> -> memref<128xi32, #tpu.memory_space<vmem>>
      %dma_start3A_398 = arith.constant 0 : i32
      %dma_start3A_399 = arith.constant 0 : i32
      %dma_start3A_400 = tpu.memref_slice %arg3[%dma_start3A_398, %dma_start3A_399] : memref<2000000x64xf32, #tpu.memory_space<hbm>> -> memref<2000000x64xf32, #tpu.memory_space<hbm>>
      tpu.enqueue_indirect_dma source(%dma_start3A_400 : memref<2000000x64xf32, #tpu.memory_space<hbm>>) target(%arg12 : memref<128x64xf32, #tpu.memory_space<vmem>>) offsets(%dma_start3A_397 : memref<128xi32, #tpu.memory_space<vmem>>) semaphore(%arg20 : memref<!tpu.dma_semaphore, #tpu.memory_space<semaphore_mem>>)
      %add3A_401 = arith.constant 7 : i32
      %add3A_402 = arith.addi %add3A_204, %add3A_401 : i32
      %dma_wait3A_403 = arith.constant 0 : i32
      %dma_wait3A_404 = arith.constant 0 : i32
      %dma_wait3A_405 = tpu.memref_slice %arg5[%dma_wait3A_403, %dma_wait3A_404] : memref<200x128xi32, #tpu.memory_space<vmem>> -> memref<1x128xi32, #tpu.memory_space<vmem>>
      %dma_wait3A_406 = tpu.memref_squeeze %dma_wait3A_405 : memref<1x128xi32, #tpu.memory_space<vmem>> -> memref<128xi32, #tpu.memory_space<vmem>>
      %dma_wait3A_407 = arith.constant 0 : i32
      %dma_wait3A_408 = arith.constant 0 : i32
      %dma_wait3A_409 = tpu.memref_slice %arg3[%dma_wait3A_407, %dma_wait3A_408] : memref<2000000x64xf32, #tpu.memory_space<hbm>> -> memref<2000000x64xf32, #tpu.memory_space<hbm>>
      tpu.wait_indirect_dma semaphore(%arg14 : memref<!tpu.dma_semaphore, #tpu.memory_space<semaphore_mem>>) src(%dma_wait3A_409 : memref<2000000x64xf32, #tpu.memory_space<hbm>>) dst(%arg6 : memref<128x64xf32, #tpu.memory_space<vmem>>)
      %mul3A_410 = arith.constant 128 : i32
      %mul3A_411 = arith.muli %add3A_402, %mul3A_410 : i32
      %add3A_412 = arith.addi %mul3A_2, %mul3A_411 : i32
      %dma_start3A_413 = arith.constant 0 : i32
      %dma_start3A_414 = tpu.memref_slice %arg4[%add3A_412, %dma_start3A_413] : memref<819200x128xf32, #tpu.memory_space<hbm>> -> memref<128x64xf32, #tpu.memory_space<hbm>>
      %dma_start3A_415 = arith.constant 0 : i32
      %dma_start3A_416 = tpu.memref_slice %arg4[%add3A_412, %dma_start3A_415] : memref<819200x128xf32, #tpu.memory_space<hbm>> -> memref<128x64xf32, #tpu.memory_space<hbm>>
      tpu.enqueue_dma source(%arg6 : memref<128x64xf32, #tpu.memory_space<vmem>>) target(%dma_start3A_416 : memref<128x64xf32, #tpu.memory_space<hbm>>) target_semaphore(%arg22 : memref<!tpu.dma_semaphore, #tpu.memory_space<semaphore_mem>>)
      %dma_wait3A_417 = arith.constant 0 : i32
      %dma_wait3A_418 = tpu.memref_slice %arg4[%mul3A_2, %dma_wait3A_417] : memref<819200x128xf32, #tpu.memory_space<hbm>> -> memref<128x64xf32, #tpu.memory_space<hbm>>
      %dma_wait3A_419 = arith.constant 0 : i32
      %dma_wait3A_420 = tpu.memref_slice %arg4[%mul3A_2, %dma_wait3A_419] : memref<819200x128xf32, #tpu.memory_space<hbm>> -> memref<128x64xf32, #tpu.memory_space<hbm>>
      tpu.wait_dma2 semaphore(%arg29 : memref<!tpu.dma_semaphore, #tpu.memory_space<semaphore_mem>>) src(%arg13 : memref<128x64xf32, #tpu.memory_space<vmem>>) dst(%dma_wait3A_420 : memref<128x64xf32, #tpu.memory_space<hbm>>)
      %add3A_421 = arith.constant 7 : i32
      %add3A_422 = arith.addi %add3A_402, %add3A_421 : i32
      %dma_start3A_423 = arith.constant 0 : i32
      %dma_start3A_424 = tpu.memref_slice %arg5[%add3A_422, %dma_start3A_423] : memref<200x128xi32, #tpu.memory_space<vmem>> -> memref<1x128xi32, #tpu.memory_space<vmem>>
      %dma_start3A_425 = tpu.memref_squeeze %dma_start3A_424 : memref<1x128xi32, #tpu.memory_space<vmem>> -> memref<128xi32, #tpu.memory_space<vmem>>
      %dma_start3A_426 = arith.constant 0 : i32
      %dma_start3A_427 = arith.constant 0 : i32
      %dma_start3A_428 = tpu.memref_slice %arg3[%dma_start3A_426, %dma_start3A_427] : memref<2000000x64xf32, #tpu.memory_space<hbm>> -> memref<2000000x64xf32, #tpu.memory_space<hbm>>
      tpu.enqueue_indirect_dma source(%dma_start3A_428 : memref<2000000x64xf32, #tpu.memory_space<hbm>>) target(%arg13 : memref<128x64xf32, #tpu.memory_space<vmem>>) offsets(%dma_start3A_425 : memref<128xi32, #tpu.memory_space<vmem>>) semaphore(%arg21 : memref<!tpu.dma_semaphore, #tpu.memory_space<semaphore_mem>>)
      %scan3A_429 = arith.constant 0 : i32
      scf.yield %scan3A_429 : i32
    }
    %scan3A_75 = arith.constant 24 : i32
    %dma_wait3A_76 = arith.constant 0 : i32
    %dma_wait3A_77 = arith.constant 0 : i32
    %dma_wait3A_78 = tpu.memref_slice %arg5[%dma_wait3A_76, %dma_wait3A_77] : memref<200x128xi32, #tpu.memory_space<vmem>> -> memref<1x128xi32, #tpu.memory_space<vmem>>
    %dma_wait3A_79 = tpu.memref_squeeze %dma_wait3A_78 : memref<1x128xi32, #tpu.memory_space<vmem>> -> memref<128xi32, #tpu.memory_space<vmem>>
    %dma_wait3A_80 = arith.constant 0 : i32
    %dma_wait3A_81 = arith.constant 0 : i32
    %dma_wait3A_82 = tpu.memref_slice %arg3[%dma_wait3A_80, %dma_wait3A_81] : memref<2000000x64xf32, #tpu.memory_space<hbm>> -> memref<2000000x64xf32, #tpu.memory_space<hbm>>
    tpu.wait_indirect_dma semaphore(%arg15 : memref<!tpu.dma_semaphore, #tpu.memory_space<semaphore_mem>>) src(%dma_wait3A_82 : memref<2000000x64xf32, #tpu.memory_space<hbm>>) dst(%arg7 : memref<128x64xf32, #tpu.memory_space<vmem>>)
    %add3A_83 = arith.constant 24704 : i32
    %add3A_84 = arith.addi %mul3A_2, %add3A_83 : i32
    %dma_start3A_85 = arith.constant 0 : i32
    %dma_start3A_86 = tpu.memref_slice %arg4[%add3A_84, %dma_start3A_85] : memref<819200x128xf32, #tpu.memory_space<hbm>> -> memref<128x64xf32, #tpu.memory_space<hbm>>
    %dma_start3A_87 = arith.constant 0 : i32
    %dma_start3A_88 = tpu.memref_slice %arg4[%add3A_84, %dma_start3A_87] : memref<819200x128xf32, #tpu.memory_space<hbm>> -> memref<128x64xf32, #tpu.memory_space<hbm>>
    tpu.enqueue_dma source(%arg7 : memref<128x64xf32, #tpu.memory_space<vmem>>) target(%dma_start3A_88 : memref<128x64xf32, #tpu.memory_space<hbm>>) target_semaphore(%arg23 : memref<!tpu.dma_semaphore, #tpu.memory_space<semaphore_mem>>)
    %dma_wait3A_89 = arith.constant 0 : i32
    %dma_wait3A_90 = arith.constant 0 : i32
    %dma_wait3A_91 = tpu.memref_slice %arg5[%dma_wait3A_89, %dma_wait3A_90] : memref<200x128xi32, #tpu.memory_space<vmem>> -> memref<1x128xi32, #tpu.memory_space<vmem>>
    %dma_wait3A_92 = tpu.memref_squeeze %dma_wait3A_91 : memref<1x128xi32, #tpu.memory_space<vmem>> -> memref<128xi32, #tpu.memory_space<vmem>>
    %dma_wait3A_93 = arith.constant 0 : i32
    %dma_wait3A_94 = arith.constant 0 : i32
    %dma_wait3A_95 = tpu.memref_slice %arg3[%dma_wait3A_93, %dma_wait3A_94] : memref<2000000x64xf32, #tpu.memory_space<hbm>> -> memref<2000000x64xf32, #tpu.memory_space<hbm>>
    tpu.wait_indirect_dma semaphore(%arg16 : memref<!tpu.dma_semaphore, #tpu.memory_space<semaphore_mem>>) src(%dma_wait3A_95 : memref<2000000x64xf32, #tpu.memory_space<hbm>>) dst(%arg8 : memref<128x64xf32, #tpu.memory_space<vmem>>)
    %add3A_96 = arith.constant 24832 : i32
    %add3A_97 = arith.addi %mul3A_2, %add3A_96 : i32
    %dma_start3A_98 = arith.constant 0 : i32
    %dma_start3A_99 = tpu.memref_slice %arg4[%add3A_97, %dma_start3A_98] : memref<819200x128xf32, #tpu.memory_space<hbm>> -> memref<128x64xf32, #tpu.memory_space<hbm>>
    %dma_start3A_100 = arith.constant 0 : i32
    %dma_start3A_101 = tpu.memref_slice %arg4[%add3A_97, %dma_start3A_100] : memref<819200x128xf32, #tpu.memory_space<hbm>> -> memref<128x64xf32, #tpu.memory_space<hbm>>
    tpu.enqueue_dma source(%arg8 : memref<128x64xf32, #tpu.memory_space<vmem>>) target(%dma_start3A_101 : memref<128x64xf32, #tpu.memory_space<hbm>>) target_semaphore(%arg24 : memref<!tpu.dma_semaphore, #tpu.memory_space<semaphore_mem>>)
    %dma_wait3A_102 = arith.constant 0 : i32
    %dma_wait3A_103 = arith.constant 0 : i32
    %dma_wait3A_104 = tpu.memref_slice %arg5[%dma_wait3A_102, %dma_wait3A_103] : memref<200x128xi32, #tpu.memory_space<vmem>> -> memref<1x128xi32, #tpu.memory_space<vmem>>
    %dma_wait3A_105 = tpu.memref_squeeze %dma_wait3A_104 : memref<1x128xi32, #tpu.memory_space<vmem>> -> memref<128xi32, #tpu.memory_space<vmem>>
    %dma_wait3A_106 = arith.constant 0 : i32
    %dma_wait3A_107 = arith.constant 0 : i32
    %dma_wait3A_108 = tpu.memref_slice %arg3[%dma_wait3A_106, %dma_wait3A_107] : memref<2000000x64xf32, #tpu.memory_space<hbm>> -> memref<2000000x64xf32, #tpu.memory_space<hbm>>
    tpu.wait_indirect_dma semaphore(%arg17 : memref<!tpu.dma_semaphore, #tpu.memory_space<semaphore_mem>>) src(%dma_wait3A_108 : memref<2000000x64xf32, #tpu.memory_space<hbm>>) dst(%arg9 : memref<128x64xf32, #tpu.memory_space<vmem>>)
    %add3A_109 = arith.constant 24960 : i32
    %add3A_110 = arith.addi %mul3A_2, %add3A_109 : i32
    %dma_start3A_111 = arith.constant 0 : i32
    %dma_start3A_112 = tpu.memref_slice %arg4[%add3A_110, %dma_start3A_111] : memref<819200x128xf32, #tpu.memory_space<hbm>> -> memref<128x64xf32, #tpu.memory_space<hbm>>
    %dma_start3A_113 = arith.constant 0 : i32
    %dma_start3A_114 = tpu.memref_slice %arg4[%add3A_110, %dma_start3A_113] : memref<819200x128xf32, #tpu.memory_space<hbm>> -> memref<128x64xf32, #tpu.memory_space<hbm>>
    tpu.enqueue_dma source(%arg9 : memref<128x64xf32, #tpu.memory_space<vmem>>) target(%dma_start3A_114 : memref<128x64xf32, #tpu.memory_space<hbm>>) target_semaphore(%arg25 : memref<!tpu.dma_semaphore, #tpu.memory_space<semaphore_mem>>)
    %dma_wait3A_115 = arith.constant 0 : i32
    %dma_wait3A_116 = arith.constant 0 : i32
    %dma_wait3A_117 = tpu.memref_slice %arg5[%dma_wait3A_115, %dma_wait3A_116] : memref<200x128xi32, #tpu.memory_space<vmem>> -> memref<1x128xi32, #tpu.memory_space<vmem>>
    %dma_wait3A_118 = tpu.memref_squeeze %dma_wait3A_117 : memref<1x128xi32, #tpu.memory_space<vmem>> -> memref<128xi32, #tpu.memory_space<vmem>>
    %dma_wait3A_119 = arith.constant 0 : i32
    %dma_wait3A_120 = arith.constant 0 : i32
    %dma_wait3A_121 = tpu.memref_slice %arg3[%dma_wait3A_119, %dma_wait3A_120] : memref<2000000x64xf32, #tpu.memory_space<hbm>> -> memref<2000000x64xf32, #tpu.memory_space<hbm>>
    tpu.wait_indirect_dma semaphore(%arg18 : memref<!tpu.dma_semaphore, #tpu.memory_space<semaphore_mem>>) src(%dma_wait3A_121 : memref<2000000x64xf32, #tpu.memory_space<hbm>>) dst(%arg10 : memref<128x64xf32, #tpu.memory_space<vmem>>)
    %add3A_122 = arith.constant 25088 : i32
    %add3A_123 = arith.addi %mul3A_2, %add3A_122 : i32
    %dma_start3A_124 = arith.constant 0 : i32
    %dma_start3A_125 = tpu.memref_slice %arg4[%add3A_123, %dma_start3A_124] : memref<819200x128xf32, #tpu.memory_space<hbm>> -> memref<128x64xf32, #tpu.memory_space<hbm>>
    %dma_start3A_126 = arith.constant 0 : i32
    %dma_start3A_127 = tpu.memref_slice %arg4[%add3A_123, %dma_start3A_126] : memref<819200x128xf32, #tpu.memory_space<hbm>> -> memref<128x64xf32, #tpu.memory_space<hbm>>
    tpu.enqueue_dma source(%arg10 : memref<128x64xf32, #tpu.memory_space<vmem>>) target(%dma_start3A_127 : memref<128x64xf32, #tpu.memory_space<hbm>>) target_semaphore(%arg26 : memref<!tpu.dma_semaphore, #tpu.memory_space<semaphore_mem>>)
    %dma_wait3A_128 = arith.constant 0 : i32
    %dma_wait3A_129 = arith.constant 0 : i32
    %dma_wait3A_130 = tpu.memref_slice %arg5[%dma_wait3A_128, %dma_wait3A_129] : memref<200x128xi32, #tpu.memory_space<vmem>> -> memref<1x128xi32, #tpu.memory_space<vmem>>
    %dma_wait3A_131 = tpu.memref_squeeze %dma_wait3A_130 : memref<1x128xi32, #tpu.memory_space<vmem>> -> memref<128xi32, #tpu.memory_space<vmem>>
    %dma_wait3A_132 = arith.constant 0 : i32
    %dma_wait3A_133 = arith.constant 0 : i32
    %dma_wait3A_134 = tpu.memref_slice %arg3[%dma_wait3A_132, %dma_wait3A_133] : memref<2000000x64xf32, #tpu.memory_space<hbm>> -> memref<2000000x64xf32, #tpu.memory_space<hbm>>
    tpu.wait_indirect_dma semaphore(%arg19 : memref<!tpu.dma_semaphore, #tpu.memory_space<semaphore_mem>>) src(%dma_wait3A_134 : memref<2000000x64xf32, #tpu.memory_space<hbm>>) dst(%arg11 : memref<128x64xf32, #tpu.memory_space<vmem>>)
    %add3A_135 = arith.constant 25216 : i32
    %add3A_136 = arith.addi %mul3A_2, %add3A_135 : i32
    %dma_start3A_137 = arith.constant 0 : i32
    %dma_start3A_138 = tpu.memref_slice %arg4[%add3A_136, %dma_start3A_137] : memref<819200x128xf32, #tpu.memory_space<hbm>> -> memref<128x64xf32, #tpu.memory_space<hbm>>
    %dma_start3A_139 = arith.constant 0 : i32
    %dma_start3A_140 = tpu.memref_slice %arg4[%add3A_136, %dma_start3A_139] : memref<819200x128xf32, #tpu.memory_space<hbm>> -> memref<128x64xf32, #tpu.memory_space<hbm>>
    tpu.enqueue_dma source(%arg11 : memref<128x64xf32, #tpu.memory_space<vmem>>) target(%dma_start3A_140 : memref<128x64xf32, #tpu.memory_space<hbm>>) target_semaphore(%arg27 : memref<!tpu.dma_semaphore, #tpu.memory_space<semaphore_mem>>)
    %dma_wait3A_141 = arith.constant 0 : i32
    %dma_wait3A_142 = arith.constant 0 : i32
    %dma_wait3A_143 = tpu.memref_slice %arg5[%dma_wait3A_141, %dma_wait3A_142] : memref<200x128xi32, #tpu.memory_space<vmem>> -> memref<1x128xi32, #tpu.memory_space<vmem>>
    %dma_wait3A_144 = tpu.memref_squeeze %dma_wait3A_143 : memref<1x128xi32, #tpu.memory_space<vmem>> -> memref<128xi32, #tpu.memory_space<vmem>>
    %dma_wait3A_145 = arith.constant 0 : i32
    %dma_wait3A_146 = arith.constant 0 : i32
    %dma_wait3A_147 = tpu.memref_slice %arg3[%dma_wait3A_145, %dma_wait3A_146] : memref<2000000x64xf32, #tpu.memory_space<hbm>> -> memref<2000000x64xf32, #tpu.memory_space<hbm>>
    tpu.wait_indirect_dma semaphore(%arg20 : memref<!tpu.dma_semaphore, #tpu.memory_space<semaphore_mem>>) src(%dma_wait3A_147 : memref<2000000x64xf32, #tpu.memory_space<hbm>>) dst(%arg12 : memref<128x64xf32, #tpu.memory_space<vmem>>)
    %add3A_148 = arith.constant 25344 : i32
    %add3A_149 = arith.addi %mul3A_2, %add3A_148 : i32
    %dma_start3A_150 = arith.constant 0 : i32
    %dma_start3A_151 = tpu.memref_slice %arg4[%add3A_149, %dma_start3A_150] : memref<819200x128xf32, #tpu.memory_space<hbm>> -> memref<128x64xf32, #tpu.memory_space<hbm>>
    %dma_start3A_152 = arith.constant 0 : i32
    %dma_start3A_153 = tpu.memref_slice %arg4[%add3A_149, %dma_start3A_152] : memref<819200x128xf32, #tpu.memory_space<hbm>> -> memref<128x64xf32, #tpu.memory_space<hbm>>
    tpu.enqueue_dma source(%arg12 : memref<128x64xf32, #tpu.memory_space<vmem>>) target(%dma_start3A_153 : memref<128x64xf32, #tpu.memory_space<hbm>>) target_semaphore(%arg28 : memref<!tpu.dma_semaphore, #tpu.memory_space<semaphore_mem>>)
    %dma_wait3A_154 = arith.constant 0 : i32
    %dma_wait3A_155 = arith.constant 0 : i32
    %dma_wait3A_156 = tpu.memref_slice %arg5[%dma_wait3A_154, %dma_wait3A_155] : memref<200x128xi32, #tpu.memory_space<vmem>> -> memref<1x128xi32, #tpu.memory_space<vmem>>
    %dma_wait3A_157 = tpu.memref_squeeze %dma_wait3A_156 : memref<1x128xi32, #tpu.memory_space<vmem>> -> memref<128xi32, #tpu.memory_space<vmem>>
    %dma_wait3A_158 = arith.constant 0 : i32
    %dma_wait3A_159 = arith.constant 0 : i32
    %dma_wait3A_160 = tpu.memref_slice %arg3[%dma_wait3A_158, %dma_wait3A_159] : memref<2000000x64xf32, #tpu.memory_space<hbm>> -> memref<2000000x64xf32, #tpu.memory_space<hbm>>
    tpu.wait_indirect_dma semaphore(%arg21 : memref<!tpu.dma_semaphore, #tpu.memory_space<semaphore_mem>>) src(%dma_wait3A_160 : memref<2000000x64xf32, #tpu.memory_space<hbm>>) dst(%arg13 : memref<128x64xf32, #tpu.memory_space<vmem>>)
    %add3A_161 = arith.constant 25472 : i32
    %add3A_162 = arith.addi %mul3A_2, %add3A_161 : i32
    %dma_start3A_163 = arith.constant 0 : i32
    %dma_start3A_164 = tpu.memref_slice %arg4[%add3A_162, %dma_start3A_163] : memref<819200x128xf32, #tpu.memory_space<hbm>> -> memref<128x64xf32, #tpu.memory_space<hbm>>
    %dma_start3A_165 = arith.constant 0 : i32
    %dma_start3A_166 = tpu.memref_slice %arg4[%add3A_162, %dma_start3A_165] : memref<819200x128xf32, #tpu.memory_space<hbm>> -> memref<128x64xf32, #tpu.memory_space<hbm>>
    tpu.enqueue_dma source(%arg13 : memref<128x64xf32, #tpu.memory_space<vmem>>) target(%dma_start3A_166 : memref<128x64xf32, #tpu.memory_space<hbm>>) target_semaphore(%arg29 : memref<!tpu.dma_semaphore, #tpu.memory_space<semaphore_mem>>)
    %dma_wait3A_167 = arith.constant 0 : i32
    %dma_wait3A_168 = tpu.memref_slice %arg4[%mul3A_2, %dma_wait3A_167] : memref<819200x128xf32, #tpu.memory_space<hbm>> -> memref<128x64xf32, #tpu.memory_space<hbm>>
    %dma_wait3A_169 = arith.constant 0 : i32
    %dma_wait3A_170 = tpu.memref_slice %arg4[%mul3A_2, %dma_wait3A_169] : memref<819200x128xf32, #tpu.memory_space<hbm>> -> memref<128x64xf32, #tpu.memory_space<hbm>>
    tpu.wait_dma2 semaphore(%arg22 : memref<!tpu.dma_semaphore, #tpu.memory_space<semaphore_mem>>) src(%arg6 : memref<128x64xf32, #tpu.memory_space<vmem>>) dst(%dma_wait3A_170 : memref<128x64xf32, #tpu.memory_space<hbm>>)
    %dma_wait3A_171 = arith.constant 0 : i32
    %dma_wait3A_172 = tpu.memref_slice %arg4[%mul3A_2, %dma_wait3A_171] : memref<819200x128xf32, #tpu.memory_space<hbm>> -> memref<128x64xf32, #tpu.memory_space<hbm>>
    %dma_wait3A_173 = arith.constant 0 : i32
    %dma_wait3A_174 = tpu.memref_slice %arg4[%mul3A_2, %dma_wait3A_173] : memref<819200x128xf32, #tpu.memory_space<hbm>> -> memref<128x64xf32, #tpu.memory_space<hbm>>
    tpu.wait_dma2 semaphore(%arg23 : memref<!tpu.dma_semaphore, #tpu.memory_space<semaphore_mem>>) src(%arg7 : memref<128x64xf32, #tpu.memory_space<vmem>>) dst(%dma_wait3A_174 : memref<128x64xf32, #tpu.memory_space<hbm>>)
    %dma_wait3A_175 = arith.constant 0 : i32
    %dma_wait3A_176 = tpu.memref_slice %arg4[%mul3A_2, %dma_wait3A_175] : memref<819200x128xf32, #tpu.memory_space<hbm>> -> memref<128x64xf32, #tpu.memory_space<hbm>>
    %dma_wait3A_177 = arith.constant 0 : i32
    %dma_wait3A_178 = tpu.memref_slice %arg4[%mul3A_2, %dma_wait3A_177] : memref<819200x128xf32, #tpu.memory_space<hbm>> -> memref<128x64xf32, #tpu.memory_space<hbm>>
    tpu.wait_dma2 semaphore(%arg24 : memref<!tpu.dma_semaphore, #tpu.memory_space<semaphore_mem>>) src(%arg8 : memref<128x64xf32, #tpu.memory_space<vmem>>) dst(%dma_wait3A_178 : memref<128x64xf32, #tpu.memory_space<hbm>>)
    %dma_wait3A_179 = arith.constant 0 : i32
    %dma_wait3A_180 = tpu.memref_slice %arg4[%mul3A_2, %dma_wait3A_179] : memref<819200x128xf32, #tpu.memory_space<hbm>> -> memref<128x64xf32, #tpu.memory_space<hbm>>
    %dma_wait3A_181 = arith.constant 0 : i32
    %dma_wait3A_182 = tpu.memref_slice %arg4[%mul3A_2, %dma_wait3A_181] : memref<819200x128xf32, #tpu.memory_space<hbm>> -> memref<128x64xf32, #tpu.memory_space<hbm>>
    tpu.wait_dma2 semaphore(%arg25 : memref<!tpu.dma_semaphore, #tpu.memory_space<semaphore_mem>>) src(%arg9 : memref<128x64xf32, #tpu.memory_space<vmem>>) dst(%dma_wait3A_182 : memref<128x64xf32, #tpu.memory_space<hbm>>)
    %dma_wait3A_183 = arith.constant 0 : i32
    %dma_wait3A_184 = tpu.memref_slice %arg4[%mul3A_2, %dma_wait3A_183] : memref<819200x128xf32, #tpu.memory_space<hbm>> -> memref<128x64xf32, #tpu.memory_space<hbm>>
    %dma_wait3A_185 = arith.constant 0 : i32
    %dma_wait3A_186 = tpu.memref_slice %arg4[%mul3A_2, %dma_wait3A_185] : memref<819200x128xf32, #tpu.memory_space<hbm>> -> memref<128x64xf32, #tpu.memory_space<hbm>>
    tpu.wait_dma2 semaphore(%arg26 : memref<!tpu.dma_semaphore, #tpu.memory_space<semaphore_mem>>) src(%arg10 : memref<128x64xf32, #tpu.memory_space<vmem>>) dst(%dma_wait3A_186 : memref<128x64xf32, #tpu.memory_space<hbm>>)
    %dma_wait3A_187 = arith.constant 0 : i32
    %dma_wait3A_188 = tpu.memref_slice %arg4[%mul3A_2, %dma_wait3A_187] : memref<819200x128xf32, #tpu.memory_space<hbm>> -> memref<128x64xf32, #tpu.memory_space<hbm>>
    %dma_wait3A_189 = arith.constant 0 : i32
    %dma_wait3A_190 = tpu.memref_slice %arg4[%mul3A_2, %dma_wait3A_189] : memref<819200x128xf32, #tpu.memory_space<hbm>> -> memref<128x64xf32, #tpu.memory_space<hbm>>
    tpu.wait_dma2 semaphore(%arg27 : memref<!tpu.dma_semaphore, #tpu.memory_space<semaphore_mem>>) src(%arg11 : memref<128x64xf32, #tpu.memory_space<vmem>>) dst(%dma_wait3A_190 : memref<128x64xf32, #tpu.memory_space<hbm>>)
    %dma_wait3A_191 = arith.constant 0 : i32
    %dma_wait3A_192 = tpu.memref_slice %arg4[%mul3A_2, %dma_wait3A_191] : memref<819200x128xf32, #tpu.memory_space<hbm>> -> memref<128x64xf32, #tpu.memory_space<hbm>>
    %dma_wait3A_193 = arith.constant 0 : i32
    %dma_wait3A_194 = tpu.memref_slice %arg4[%mul3A_2, %dma_wait3A_193] : memref<819200x128xf32, #tpu.memory_space<hbm>> -> memref<128x64xf32, #tpu.memory_space<hbm>>
    tpu.wait_dma2 semaphore(%arg28 : memref<!tpu.dma_semaphore, #tpu.memory_space<semaphore_mem>>) src(%arg12 : memref<128x64xf32, #tpu.memory_space<vmem>>) dst(%dma_wait3A_194 : memref<128x64xf32, #tpu.memory_space<hbm>>)
    %dma_wait3A_195 = arith.constant 0 : i32
    %dma_wait3A_196 = tpu.memref_slice %arg4[%mul3A_2, %dma_wait3A_195] : memref<819200x128xf32, #tpu.memory_space<hbm>> -> memref<128x64xf32, #tpu.memory_space<hbm>>
    %dma_wait3A_197 = arith.constant 0 : i32
    %dma_wait3A_198 = tpu.memref_slice %arg4[%mul3A_2, %dma_wait3A_197] : memref<819200x128xf32, #tpu.memory_space<hbm>> -> memref<128x64xf32, #tpu.memory_space<hbm>>
    tpu.wait_dma2 semaphore(%arg29 : memref<!tpu.dma_semaphore, #tpu.memory_space<semaphore_mem>>) src(%arg13 : memref<128x64xf32, #tpu.memory_space<vmem>>) dst(%dma_wait3A_198 : memref<128x64xf32, #tpu.memory_space<hbm>>)
    return
  }
}

</mosaic_0001>

<sc_bundles>
// kernel: kernel.3.cloned.1.call-start
scs
__scs_entry_jumppad:
0x0: {  	(pc) =	sbr.rel $0x88, $3  }
0x1: {  	(tag) =	ssettag $0x0;
	lr =	simm.s32 $0x1  }
0x2: {  	[smem:$0x3F9F] =	sst lr;
	_ =	strace $0xD0000000  }
0x3: {  	_ = 	snop  }
0x4: {  	_ = 	snop  }
0x5: {  	_ = 	snop  }
0x6: {  	_ = 	snop  }
0x7: {  	_ = 	snop  }
__scs_overlays_trampoline_lowered:
0x8: {  	[smem:$0x3FAE] =	sst s0  }
0x9: {  	[smem:$0x3FAF] =	sst s1  }
0xa: {  	[smem:$0x3FB0] =	sst s2  }
0xb: {  	[smem:$0x3FB1] =	sst s3  }
0xc: {  	[smem:$0x3FB2] =	sst s4  }
0xd: {  	[smem:$0x3FB3] =	sst s5  }
0xe: {  	[smem:$0x3FB4] =	sst s6  }
0xf: {  	[smem:$0x3FB5] =	sst s7  }
0x10: {  	[smem:$0x3FB6] =	sst s8  }
0x11: {  	[smem:$0x3FB7] =	sst s9;
	s0 =	simm.s32 @!p0 $0x0  }
0x12: {  	s1 =	sld [smem:$0x3F9D];
	s0 =	simm.s32 @p0 $0x1  }
0x13: {  	[smem:$0x3FB8] =	sst s0;
	s0 =	simm.s32 @!p1 $0x0  }
0x14: {  	s2 =	sld [smem:$0x3F9C];
	s0 =	simm.s32 @p1 $0x1  }
0x15: {  	[smem:$0x3FB9] =	sst s0;
	s0 =	simm.s32 @!p2 $0x0  }
0x16: {  	s3 =	sld [smem:$0x3FDB];
	s0 =	simm.s32 @p2 $0x1  }
0x17: {  	s4 =	simm.s32 $0x1BF5;
	[smem:$0x3FBB] =	sst s0  }
0x18: {  	s0 =	sld [smem:$0x3F9E];
	_ =	swait.ge [sflag:s4], $0x0  }
0x19: {  	s7 =	sld [smem:$0x3F9F]  }
0x1a: {  	s8 =	sadd.s32 $0xFFFFE003, lr  }
0x1b: {  	s9 =	sadd.s32 $0xFFFFFEF7, lr;
	s5 =	simm.s32 $0xFFFFFFFF;
	p2 =	slt.u32 s8, $0xFFFFF086  }
0x1c: {  	p1 =	slt.u32 s9, $0xF7A;
	s5 =	simm.s32 @!p2 $0x0  }
0x1d: {  	s5 =	simm.s32 @p1 $0x1;
	p0 =	seq.s32 s7, s2  }
0x1e: {  	s7 =	smul.u32 @!p0 $0xF7A, s2;
	p2 =	seq.s32 @!p0 s5, $0x0  }
0x1f: {  	s9 =	smul.u32 $0xF7A, s1;
	s8 =	simm.s32 @!p0 $0x1BF5;
	p2 =	por !p2, p0  }
0x20: {  	[sflag:s8] =	ssyncset.s32 @!p0 $0xFFFFF086;
	s6 =	sadd.s32 @!p0 s3, s7;
	s7 =	simm.s32 @!p0 $0x108  }
0x21: {  	s3 =	sadd.s32 s3, s9;
	s6 =	sadd.s32 @!p0 $0x88, s6;
	s7 =	simm.s32 @p2 $0x1082  }
0x22: {  	[simem:s7], [sflag:s8] =	dma.local @!p0 [hbm:s6], $0xF7A  }
0x23: {  	s9 =	sor.u32 $0xD0000000, s2;
	s6 =	simm.s32 $0x108;
	_ =	swait.ge @!p0 [sflag:s8], $0x0  }
0x24: {  	s3 =	sadd.s32 $0x88, s3;
	s6 =	simm.s32 @!p1 $0x1082;
	[sflag:s4] =	ssyncset.s32 $0xFFFFF086  }
0x25: {  	[simem:s6], [sflag:s4] =	dma.local [hbm:s3], $0xF7A  }
0x26: {  	[smem:$0x3F9F] =	sst s1;
	(tag) =	ssettag s2;
	_ =	strace s9  }
0x27: {  	s1 =	sld [smem:$0x3FAF]  }
0x28: {  	s2 =	sld [smem:$0x3FB0]  }
0x29: {  	s4 =	sld [smem:$0x3FB2]  }
0x2a: {  	p0 =	seq.s32 s5, $0x0;
	s5 =	sld [smem:$0x3FB3]  }
0x2b: {  	s6 =	sld [smem:$0x3FB4]  }
0x2c: {  	s7 =	sld [smem:$0x3FB5]  }
0x2d: {  	s3 =	simm.s32 $0x108;
	s8 =	sld [smem:$0x3FB6]  }
0x2e: {  	s3 =	simm.s32 @!p0 $0x1082;
	s9 =	sld [smem:$0x3FB7]  }
0x2f: {  	lr =	sadd.s32 s0, s3;
	s0 =	sld [smem:$0x3FAE]  }
0x30: {  	s3 =	sld [smem:$0x3FB1]  }
0x31: {  	[smem:$0x3FBA] =	sst s10  }
0x32: {  	s10 =	sld [smem:$0x3FB8];
	_ =	sdelay $0x3  }
0x33: {  	p0 =	seq.s32 s10, $0x1;
	s10 =	sld [smem:$0x3FBA];
	_ =	sdelay $0x3  }
0x34: {  	[smem:$0x3FBA] =	sst s10  }
0x35: {  	s10 =	sld [smem:$0x3FB9];
	_ =	sdelay $0x3  }
0x36: {  	p1 =	seq.s32 s10, $0x1;
	s10 =	sld [smem:$0x3FBA];
	_ =	sdelay $0x3  }
0x37: {  	[smem:$0x3FBA] =	sst s10  }
0x38: {  	s10 =	sld [smem:$0x3FBB]  }
0x39: {  	_ = 	snop;
	(pc) =	sbr.ind lr, $3  }
0x3a: {  	_ = 	snop  }
0x3b: {  	_ = 	snop  }
0x3c: {  	p2 =	seq.s32 s10, $0x1;
	s10 =	sld [smem:$0x3FBA]  }
0x3d: {  	_ =	shalt  }
0x3e: {  	_ =	shalt  }
0x3f: {  	_ =	shalt  }
0x40: {  	_ =	shalt  }
0x41: {  	_ =	shalt  }
0x42: {  	_ =	shalt  }
0x43: {  	_ =	shalt  }
0x44: {  	_ =	shalt  }
0x45: {  	_ =	shalt  }
0x46: {  	_ =	shalt  }
0x47: {  	_ =	shalt  }
0x48: {  	_ =	shalt  }
0x49: {  	_ =	shalt  }
0x4a: {  	_ =	shalt  }
0x4b: {  	_ =	shalt  }
0x4c: {  	_ =	shalt  }
0x4d: {  	_ =	shalt  }
0x4e: {  	_ =	shalt  }
0x4f: {  	_ =	shalt  }
0x50: {  	_ =	shalt  }
0x51: {  	_ =	shalt  }
0x52: {  	_ =	shalt  }
0x53: {  	_ =	shalt  }
0x54: {  	_ =	shalt  }
0x55: {  	_ =	shalt  }
0x56: {  	_ =	shalt  }
0x57: {  	_ =	shalt  }
0x58: {  	_ =	shalt  }
0x59: {  	_ =	shalt  }
0x5a: {  	_ =	shalt  }
0x5b: {  	_ =	shalt  }
0x5c: {  	_ =	shalt  }
0x5d: {  	_ =	shalt  }
0x5e: {  	_ =	shalt  }
0x5f: {  	_ =	shalt  }
0x60: {  	_ =	shalt  }
0x61: {  	_ =	shalt  }
0x62: {  	_ =	shalt  }
0x63: {  	_ =	shalt  }
0x64: {  	_ =	shalt  }
0x65: {  	_ =	shalt  }
0x66: {  	_ =	shalt  }
0x67: {  	_ =	shalt  }
0x68: {  	_ =	shalt  }
0x69: {  	_ =	shalt  }
0x6a: {  	_ =	shalt  }
0x6b: {  	_ =	shalt  }
0x6c: {  	_ =	shalt  }
0x6d: {  	_ =	shalt  }
0x6e: {  	_ =	shalt  }
0x6f: {  	_ =	shalt  }
0x70: {  	_ =	shalt  }
0x71: {  	_ =	shalt  }
0x72: {  	_ =	shalt  }
0x73: {  	_ =	shalt  }
0x74: {  	_ =	shalt  }
0x75: {  	_ =	shalt  }
0x76: {  	_ =	shalt  }
0x77: {  	_ =	shalt  }
0x78: {  	_ =	shalt  }
0x79: {  	_ =	shalt  }
0x7a: {  	_ =	shalt  }
0x7b: {  	_ =	shalt  }
0x7c: {  	_ =	shalt  }
0x7d: {  	_ =	shalt  }
0x7e: {  	_ =	shalt  }
0x7f: {  	_ =	shalt  }
0x80: {  	_ =	shalt  }
0x81: {  	_ =	shalt  }
0x82: {  	_ =	shalt  }
0x83: {  	_ =	shalt  }
0x84: {  	_ =	shalt  }
0x85: {  	_ =	shalt  }
0x86: {  	_ =	shalt  }
0x87: {  	_ =	shalt  }
.Lfunc_end0:
.L_simem_size_0:
called_computation.2_lowered:
.L_overlay_start_0:
0x88: {  	s2 =	sld [smem:$0x3FD9]  }
0x89: {  	s3 =	sld [smem:$0x3FFE];
	_ =	sdelay $0x1  }
0x8a: {  	s1 =	srdreg.scid  }
0x8b: {  	s0 =	sand.u32 $0x1, s1  }
0x8c: {  	s17 =	sshll.u32 s0, $0xA;
	s2 =	sadd.s32 s3, s2  }
0x8d: {  	s2 =	sadd.s32 s2, s17  }
0x8e: {  	[smem:$0x3FC6] =	sst s2  }
0x8f: {  	_ = 	snop  }
0x90: {  	s2 =	sld [smem:$0x3FD0];
	(tm) =	ssettm $0x1  }
0x91: {  	s18 =	sld [smem:$0x3FFB];
	_ =	sdelay $0x3  }
0x92: {  	_ =	strace s18  }
0x93: {  	s3 =	sld [smem:$0x3FFC];
	_ =	sdelay $0x3  }
0x94: {  	_ =	strace s3  }
0x95: {  	s3 =	sld [smem:$0x3FFD];
	_ =	sdelay $0x3  }
0x96: {  	_ =	strace s3  }
0x97: {  	_ =	strace $0x8FFFFFFF  }
0x98: {  	s19 =	sld [smem:$0x3FDB];
	_ =	sdelay $0x1  }
0x99: {  	s4 =	simm.s32 $_scs_section_size  }
0x9a: {  	s5 =	simm.s32 $_size__tile_overlayer_lowered;
	s6 =	simm.s32 $_tile_overlayer_lowered  }
0x9b: {  	s22 =	simm.s32 $0x1BFF;
	s21 =	sshll.u32 s6, $0x1;
	s3 =	sadd.s32 s4, s19  }
0x9c: {  	s7 =	simm.s32 $0x0;
	s20 =	sshll.u32 s5, $0x1;
	s5 =	sadd.s32 s21, s3  }
0x9d: {  	[timem:s7], [sflag:s22] =	dma.local [hbm:s5], s20  }
0x9e: {  	_ =	swait.ge [sflag:s22], s20  }
0x9f: {  	s4 =	ssub.s32 $0x0, s20;
	[sflag:s22] =	ssyncset.done $0x0  }
0xa0: {  	[sflag:s22] =	ssyncadd.s32 s4;
	_ =	sdelay $0x1  }
0xa1: {  	s23 =	simm.s32 $0x1B8B  }
0xa2: {  	_ =	swait.ge [sflag:s23], $0x1  }
0xa3: {  	[sflag:s23] =	ssyncset.done $0x0  }
0xa4: {  	s25 =	simm.s32 $0x1B8E;
	s24 =	sld [smem:$0x3FFE];
	[sflag:s23] =	ssyncadd.s32 $0xFFFFFFFF  }
0xa5: {  	s26 =	simm.s32 $execute0_lowered;
	[smem:$0x3FD2] =	sst s25  }
0xa6: {  	s5 =	sshll.u32 s26, $0x1;
	_ =	strace $0x80000049;
	[dreg:$0x1] =	wrdreg $0xFFFFFFFF  }
0xa7: {  	s28 =	simm.s32 $_size_execute0_lowered;
	s3 =	sadd.s32 s3, s5;
	[dreg:$0x0] =	wrdreg $0x0  }
0xa8: {  	s5 =	sshll.u32 s28, $0x1;
	[dreg:$0x2] =	wrdreg s3  }
0xa9: {  	[dreg:$0x3] =	wrdreg s5  }
0xaa: {  	[dreg:$0x4] =	wrdreg $0xC0  }
0xab: {  	_ =	task [dreg:s7], $0x5FFFF  }
0xac: {  	[dreg:$0x1] =	wrdreg $0xFFFFFFFF  }
0xad: {  	[dreg:$0x0] =	wrdreg $0x60  }
0xae: {  	[dreg:$0x2] =	wrdreg s2  }
0xaf: {  	[dreg:$0x3] =	wrdreg s24  }
0xb0: {  	[dreg:$0x4] =	wrdreg $0x9  }
0xb1: {  	_ =	task.clear_ibuf [dreg:s7], $0x5FFFF;
	_ =	strace $0x90000049  }
0xb2: {  	s29 =	simm.s32 $0x9;
	_ =	strace $0x8000004B  }
0xb3: {  	_ =	swait.ge [sflag:s29], $0x1  }
0xb4: {  	[sflag:s29] =	ssyncadd.s32 $0xFFFFFFFF  }
0xb5: {  	_ =	strace $0x9000004B  }
0xb6: {  	_ =	sfence  }
0xb7: {  	s30 =	sld [smem:$0x0];
	_ =	sdelay $0x2  }
0xb8: {  	s31 =	sshll.u32 s1, $0xD;
	s1 =	sshrl.u32 s1, $0x2  }
0xb9: {  	s3 =	sand.u32 $0x4000, s31;
	s1 =	sadd.s32 s1, s30  }
0xba: {  	s0 =	sor.u32 s3, s0;
	s1 =	sshll.u32 s1, $0x11  }
0xbb: {  	s0 =	sor.u32 s1, s0  }
0xbc: {  	s0 =	sadd.s32 $0x8F2B, s0  }
0xbd: {  	[sflag:s0] =	ssyncadd.remote.s32 $0x1  }
0xbe: {  	_ =	sfence.sel $0xFFFF  }
0xbf: {  	[dreg:$0x0] =	wrdreg $0xFFFFFFFF;
	(pc) =	sbr.abs _section_cstart, $3  }
0xc0: {  	[dreg:$0x1] =	wrdreg $0xFFFFFFFF  }
0xc1: {  	_ =	task.clear_ibuf [dreg:s7], $0x2FFFF;
	_ =	strace $0x9FFFFFFF  }
0xc2: {  	(tm) =	ssettm $0x7FFFFFFF  }
0xc3: {  	_ =	shalt  }
tec
execute0_lowered:
.L_overlay_start_1:
0x0: {  	(tag) =	ssettag $0x1  }
0x1: {  	s0 =	rddreg [dreg:$0x0];
	s1 =	srdreg.scid  }
0x2: {  	s4 =	stileid.u32;
	s2 =	rddreg [dreg:$0x1];
	s6 =	simm.s32 $0x0  }
0x3: {  	s29 =	simm.s32 $0x12400;
	s30 =	simm.s32 $0x1;
	s1 =	sand.u32 $0x1, s1  }
0x4: {  	s3 =	sshll.u32 s4, $0x1;
	[smem:$0x7FF] =	sst s6;
	s8 =	smul.u32 $0xC800, s4  }
0x5: {  	s5 =	sor.u32 s1, s3;
	s7 =	ssub.s32 $0x2, s1;
	s1 =	smul.u32 $0x6400, s1  }
0x6: {  	s31 =	simm.s32 $0x40;
	_ =	strace $0x8000004A;
	s26 =	smul.u32 $0x6400, s5  }
0x7: {  	s28 =	simm.s32 $0x4;
	s3 =	sadd.s32 $0xF43200, s2;
	s11 =	smul.u32 $0x320000, s5  }
0x8: {  	s2 =	sadd.s32 $0xE00, s2;
	s9 =	sshrl.u32 s7, $0x1;
	s5 =	smul.u32 $0x64000, s5  }
0x9: {  	[dreg:$0xb] =	wrdreg s2;
	s10 =	ssub.s32 s7, s9;
	s1 =	sadd.s32 s1, s8  }
0xa: {  	s7 =	simm.s32 $0xD;
	s8 =	simm.s32 $0x7;
	s5 =	sadd.s32 s2, s5  }
0xb: {  	s6 =	sshrl.u32 s26, $0x3;
	s26 =	smax.u32 s10, $0x1;
	[dreg:$0xd] =	wrdreg s5  }
0xc: {  	s1 =	sshll.u32 s1, $0x4;
	s0 =	sadd.s32 s0, s6;
	[dreg:$0x15] =	wrdreg s26  }
0xd: {  	s9 =	simm.s32 $0xE;
	s13 =	sor.u32 $0x3800, s1;
	[dreg:$0xc] =	wrdreg s0  }
0xe: {  	s12 =	sshrl.u32 s11, $0x3;
	s14 =	sor.u32 $0x3000, s1;
	[dreg:$0x3] =	wrdreg s13  }
0xf: {  	s10 =	simm.s32 $0x8;
	s16 =	sor.u32 $0x2800, s1;
	[dreg:$0x4] =	wrdreg s14  }
0x10: {  	s11 =	simm.s32 $0xF;
	s18 =	sor.u32 $0x2000, s1;
	[dreg:$0x5] =	wrdreg s16  }
0x11: {  	s20 =	sor.u32 $0x1800, s1;
	s22 =	sor.u32 $0x1000, s1;
	[dreg:$0x6] =	wrdreg s18  }
0x12: {  	s24 =	sor.u32 $0x800, s1;
	s25 =	sadd.s32 $0x4000, s1;
	[dreg:$0x7] =	wrdreg s20  }
0x13: {  	s26 =	simm.s32 $0x10400;
	s1 =	simm.s32 $0xB;
	[dreg:$0x8] =	wrdreg s22  }
0x14: {  	s5 =	simm.s32 $0xC;
	s6 =	simm.s32 $0x6;
	[dreg:$0x9] =	wrdreg s24  }
0x15: {  	s0 =	sadd.s32 s2, s12;
	[dreg:$0xa] =	wrdreg s25;
	s16 =	simm.s32 $0x80  }
0x16: {  	s18 =	simm.s32 $0x8400;
	s20 =	simm.s32 $0xA400;
	s4 =	sadd.s32 $0x60800, s0  }
0x17: {  	s22 =	simm.s32 $0xC400;
	s15 =	sadd.s32 $0x61000, s0;
	[dreg:$0xe] =	wrdreg s4  }
0x18: {  	s24 =	simm.s32 $0xE400;
	s17 =	sadd.s32 $0x61800, s0;
	[dreg:$0xf] =	wrdreg s15  }
0x19: {  	s25 =	simm.s32 $0xA;
	s19 =	sadd.s32 $0x62000, s0;
	[dreg:$0x10] =	wrdreg s17  }
0x1a: {  	s2 =	simm.s32 $0x5;
	s21 =	sadd.s32 $0x62800, s0;
	[dreg:$0x11] =	wrdreg s19  }
0x1b: {  	s12 =	simm.s32 $0x10;
	s23 =	sadd.s32 $0x63000, s0;
	[dreg:$0x12] =	wrdreg s21  }
0x1c: {  	s13 =	simm.s32 $0x0;
	s0 =	sadd.s32 $0x63800, s0;
	[dreg:$0x13] =	wrdreg s23  }
0x1d: {  	[dreg:$0x14] =	wrdreg s0;
	s17 =	simm.s32 $0x6400;
	s0 =	simm.s32 $0x14400  }
0x1e: {  	s19 =	simm.s32 $0x2;
	s21 =	simm.s32 $0x9;
	s23 =	simm.s32 $0x3  }
.LBB2_1:
0x1f: {  	[dreg:$0x16] =	wrdreg s13  }
0x20: {  	s4 =	simm.s32 $0x0;
	s14 =	rddreg [dreg:$0xc];
	s15 =	simm.s32 $0x11  }
0x21: {  	[tilespmem:s4], [sflag:$0x11] =	stream.linear.gather [hbm4b:s14+s4], $0x6400, $0x38;
	[tilespmem:$0x16400] =	vst v63  }
0x22: {  	_ =	swait.ge [sflag:s15], $0x6400  }
0x23: {  	[sflag:s15] =	ssyncset.done $0x0  }
0x24: {  	[sflag:s15] =	ssyncadd.s32 $0xFFFF9C00  }
0x25: {  	[tilespmem:s17], [sflag:$0x1] =	stream.indirect.gather [hbm4b:s3+s16], $0x40, s4, s16, $0xb8;
	[tilespmem:$0x16400] =	vst v63  }
0x26: {  	_ = 	snop  }
0x27: {  	[tilespmem:s18], [sflag:$0x2] =	stream.indirect.gather [hbm4b:s3+s16], $0x40, s16, s16, $0xb8;
	[tilespmem:$0x16400] =	vst v63  }
0x28: {  	s14 =	simm.s32 $0x100  }
0x29: {  	[tilespmem:s20], [sflag:$0x3] =	stream.indirect.gather [hbm4b:s3+s16], $0x40, s14, s16, $0xb8;
	[tilespmem:$0x16400] =	vst v63  }
0x2a: {  	s15 =	simm.s32 $0x180  }
0x2b: {  	[tilespmem:s22], [sflag:$0x4] =	stream.indirect.gather [hbm4b:s3+s16], $0x40, s15, s16, $0xb8;
	[tilespmem:$0x16400] =	vst v63  }
0x2c: {  	s13 =	simm.s32 $0x200  }
0x2d: {  	[tilespmem:s24], [sflag:$0x5] =	stream.indirect.gather [hbm4b:s3+s16], $0x40, s13, s16, $0xb8;
	[tilespmem:$0x16400] =	vst v63  }
0x2e: {  	s14 =	simm.s32 $0x280  }
0x2f: {  	[tilespmem:s26], [sflag:$0x6] =	stream.indirect.gather [hbm4b:s3+s16], $0x40, s14, s16, $0xb8;
	[tilespmem:$0x16400] =	vst v63  }
0x30: {  	s15 =	simm.s32 $0x300  }
0x31: {  	[tilespmem:s29], [sflag:$0x7] =	stream.indirect.gather [hbm4b:s3+s16], $0x40, s15, s16, $0xb8;
	[tilespmem:$0x16400] =	vst v63  }
0x32: {  	_ =	swait.ge [sflag:s30], $0x2000  }
0x33: {  	[sflag:s30] =	ssyncset.done $0x0  }
0x34: {  	s13 =	rddreg [dreg:$0xd];
	[sflag:s30] =	ssyncadd.s32 $0xFFFFE000  }
0x35: {  	[hbm4b:s13+s31] =	stream.strided.scatter [tilespmem:s17], [sflag:$0x9], $0x2000, s16, s31, $0x38;
	[tilespmem:$0x16400] =	vst v63  }
0x36: {  	s14 =	simm.s32 $0x380  }
0x37: {  	[tilespmem:s0], [sflag:$0x8] =	stream.indirect.gather [hbm4b:s3+s16], $0x40, s14, s16, $0xb8;
	[tilespmem:$0x16400] =	vst v63  }
0x38: {  	_ =	swait.ge [sflag:s19], $0x2000  }
0x39: {  	s15 =	rddreg [dreg:$0x9]  }
0x3a: {  	[sflag:s19] =	ssyncset.done $0x0;
	s4 =	rddreg [dreg:$0xb]  }
0x3b: {  	[sflag:s19] =	ssyncadd.s32 $0xFFFFE000;
	s13 =	sadd.s32 s4, s15  }
0x3c: {  	[hbm4b:s13+s31] =	stream.strided.scatter [tilespmem:s18], [sflag:$0xA], $0x2000, s16, s31, $0x38;
	[tilespmem:$0x16400] =	vst v63  }
0x3d: {  	_ =	swait.ge [sflag:s21], $0x2000  }
0x3e: {  	[sflag:s21] =	ssyncset.done $0x0  }
0x3f: {  	s14 =	simm.s32 $0x400;
	[sflag:s21] =	ssyncadd.s32 $0xFFFFE000  }
0x40: {  	[tilespmem:s17], [sflag:$0x1] =	stream.indirect.gather [hbm4b:s3+s16], $0x40, s14, s16, $0xb8;
	[tilespmem:$0x16400] =	vst v63  }
0x41: {  	_ =	swait.ge [sflag:s23], $0x2000  }
0x42: {  	s15 =	rddreg [dreg:$0x8];
	[sflag:s23] =	ssyncset.done $0x0  }
0x43: {  	[sflag:s23] =	ssyncadd.s32 $0xFFFFE000;
	s13 =	sadd.s32 s4, s15  }
0x44: {  	[hbm4b:s13+s31] =	stream.strided.scatter [tilespmem:s20], [sflag:$0xB], $0x2000, s16, s31, $0x38;
	[tilespmem:$0x16400] =	vst v63  }
0x45: {  	_ =	swait.ge [sflag:s25], $0x2000  }
0x46: {  	[sflag:s25] =	ssyncset.done $0x0  }
0x47: {  	s14 =	simm.s32 $0x480;
	[sflag:s25] =	ssyncadd.s32 $0xFFFFE000  }
0x48: {  	[tilespmem:s18], [sflag:$0x2] =	stream.indirect.gather [hbm4b:s3+s16], $0x40, s14, s16, $0xb8;
	[tilespmem:$0x16400] =	vst v63  }
0x49: {  	_ =	swait.ge [sflag:s28], $0x2000  }
0x4a: {  	s15 =	rddreg [dreg:$0x7];
	[sflag:s28] =	ssyncset.done $0x0  }
0x4b: {  	[sflag:s28] =	ssyncadd.s32 $0xFFFFE000;
	s13 =	sadd.s32 s4, s15  }
0x4c: {  	[hbm4b:s13+s31] =	stream.strided.scatter [tilespmem:s22], [sflag:$0xC], $0x2000, s16, s31, $0x38;
	[tilespmem:$0x16400] =	vst v63  }
0x4d: {  	_ =	swait.ge [sflag:s1], $0x2000  }
0x4e: {  	[sflag:s1] =	ssyncset.done $0x0  }
0x4f: {  	s14 =	simm.s32 $0x500;
	[sflag:s1] =	ssyncadd.s32 $0xFFFFE000  }
0x50: {  	[tilespmem:s20], [sflag:$0x3] =	stream.indirect.gather [hbm4b:s3+s16], $0x40, s14, s16, $0xb8;
	[tilespmem:$0x16400] =	vst v63  }
0x51: {  	_ =	swait.ge [sflag:s2], $0x2000  }
0x52: {  	s15 =	rddreg [dreg:$0x6];
	[sflag:s2] =	ssyncset.done $0x0  }
0x53: {  	[sflag:s2] =	ssyncadd.s32 $0xFFFFE000;
	s13 =	sadd.s32 s4, s15  }
0x54: {  	[hbm4b:s13+s31] =	stream.strided.scatter [tilespmem:s24], [sflag:$0xD], $0x2000, s16, s31, $0x38;
	[tilespmem:$0x16400] =	vst v63  }
0x55: {  	_ =	swait.ge [sflag:s5], $0x2000  }
0x56: {  	[sflag:s5] =	ssyncset.done $0x0  }
0x57: {  	s14 =	simm.s32 $0x580;
	[sflag:s5] =	ssyncadd.s32 $0xFFFFE000  }
0x58: {  	[tilespmem:s22], [sflag:$0x4] =	stream.indirect.gather [hbm4b:s3+s16], $0x40, s14, s16, $0xb8;
	[tilespmem:$0x16400] =	vst v63  }
0x59: {  	_ =	swait.ge [sflag:s6], $0x2000  }
0x5a: {  	s15 =	rddreg [dreg:$0x5];
	[sflag:s6] =	ssyncset.done $0x0  }
0x5b: {  	[sflag:s6] =	ssyncadd.s32 $0xFFFFE000;
	s13 =	sadd.s32 s4, s15  }
0x5c: {  	[hbm4b:s13+s31] =	stream.strided.scatter [tilespmem:s26], [sflag:$0xE], $0x2000, s16, s31, $0x38;
	[tilespmem:$0x16400] =	vst v63  }
0x5d: {  	_ =	swait.ge [sflag:s7], $0x2000  }
0x5e: {  	[sflag:s7] =	ssyncset.done $0x0  }
0x5f: {  	s14 =	simm.s32 $0x600;
	[sflag:s7] =	ssyncadd.s32 $0xFFFFE000  }
0x60: {  	[tilespmem:s24], [sflag:$0x5] =	stream.indirect.gather [hbm4b:s3+s16], $0x40, s14, s16, $0xb8;
	[tilespmem:$0x16400] =	vst v63  }
0x61: {  	_ =	swait.ge [sflag:s8], $0x2000  }
0x62: {  	s15 =	rddreg [dreg:$0x4];
	[sflag:s8] =	ssyncset.done $0x0  }
0x63: {  	[sflag:s8] =	ssyncadd.s32 $0xFFFFE000;
	s13 =	sadd.s32 s4, s15  }
0x64: {  	[hbm4b:s13+s31] =	stream.strided.scatter [tilespmem:s29], [sflag:$0xF], $0x2000, s16, s31, $0x38;
	[tilespmem:$0x16400] =	vst v63  }
0x65: {  	_ =	swait.ge [sflag:s9], $0x2000  }
0x66: {  	[sflag:s9] =	ssyncset.done $0x0  }
0x67: {  	s14 =	simm.s32 $0x680;
	[sflag:s9] =	ssyncadd.s32 $0xFFFFE000  }
0x68: {  	[tilespmem:s26], [sflag:$0x6] =	stream.indirect.gather [hbm4b:s3+s16], $0x40, s14, s16, $0xb8;
	[tilespmem:$0x16400] =	vst v63  }
0x69: {  	_ =	swait.ge [sflag:s10], $0x2000  }
0x6a: {  	s15 =	rddreg [dreg:$0x3];
	[sflag:s10] =	ssyncset.done $0x0  }
0x6b: {  	[sflag:s10] =	ssyncadd.s32 $0xFFFFE000;
	s13 =	sadd.s32 s4, s15  }
0x6c: {  	[hbm4b:s13+s31] =	stream.strided.scatter [tilespmem:s0], [sflag:$0x10], $0x2000, s16, s31, $0x38;
	[tilespmem:$0x16400] =	vst v63  }
0x6d: {  	_ =	swait.ge [sflag:s11], $0x2000  }
0x6e: {  	[sflag:s11] =	ssyncset.done $0x0  }
0x6f: {  	s14 =	simm.s32 $0x700;
	[sflag:s11] =	ssyncadd.s32 $0xFFFFE000  }
0x70: {  	[tilespmem:s29], [sflag:$0x7] =	stream.indirect.gather [hbm4b:s3+s16], $0x40, s14, s16, $0xb8;
	[tilespmem:$0x16400] =	vst v63  }
0x71: {  	_ =	swait.ge [sflag:s30], $0x2000  }
0x72: {  	s15 =	rddreg [dreg:$0xa];
	[sflag:s30] =	ssyncset.done $0x0  }
0x73: {  	[sflag:s30] =	ssyncadd.s32 $0xFFFFE000;
	s13 =	sadd.s32 s4, s15  }
0x74: {  	[hbm4b:s13+s31] =	stream.strided.scatter [tilespmem:s17], [sflag:$0x9], $0x2000, s16, s31, $0x38;
	[tilespmem:$0x16400] =	vst v63  }
0x75: {  	_ =	swait.ge [sflag:s12], $0x2000  }
0x76: {  	s14 =	simm.s32 $0x1000;
	[sflag:s12] =	ssyncset.done $0x0  }
0x77: {  	s15 =	sadd.s32 $0x4000, s4;
	s13 =	simm.s32 $0x780;
	[sflag:s12] =	ssyncadd.s32 $0xFFFFE000  }
.LBB2_2:
0x78: {  	[tilespmem:s0], [sflag:$0x8] =	stream.indirect.gather [hbm4b:s3+s16], $0x40, s13, s16, $0xb8;
	[tilespmem:$0x16400] =	vst v63  }
0x79: {  	_ =	swait.ge [sflag:s19], $0x2000  }
0x7a: {  	s4 =	rddreg [dreg:$0x9];
	[sflag:s19] =	ssyncset.done $0x0  }
0x7b: {  	[sflag:s19] =	ssyncadd.s32 $0xFFFFE000;
	s4 =	sadd.s32 s15, s4  }
0x7c: {  	[hbm4b:s4+s31] =	stream.strided.scatter [tilespmem:s18], [sflag:$0xA], $0x2000, s16, s31, $0x38;
	[tilespmem:$0x16400] =	vst v63  }
0x7d: {  	s13 =	smov.u32 s14;
	_ =	swait.ge [sflag:s21], $0x2000  }
0x7e: {  	s13 =	sshra.s32 s13, $0x2;
	[sflag:s21] =	ssyncset.done $0x0  }
0x7f: {  	s4 =	sadd.s32 $0x400, s13;
	[sflag:s21] =	ssyncadd.s32 $0xFFFFE000  }
0x80: {  	[tilespmem:s17], [sflag:$0x1] =	stream.indirect.gather [hbm4b:s3+s16], $0x40, s4, s16, $0xb8;
	[tilespmem:$0x16400] =	vst v63  }
0x81: {  	_ =	swait.ge [sflag:s23], $0x2000  }
0x82: {  	s4 =	rddreg [dreg:$0x8];
	[sflag:s23] =	ssyncset.done $0x0  }
0x83: {  	[sflag:s23] =	ssyncadd.s32 $0xFFFFE000;
	s4 =	sadd.s32 s15, s4  }
0x84: {  	[hbm4b:s4+s31] =	stream.strided.scatter [tilespmem:s20], [sflag:$0xB], $0x2000, s16, s31, $0x38;
	[tilespmem:$0x16400] =	vst v63  }
0x85: {  	_ =	swait.ge [sflag:s25], $0x2000  }
0x86: {  	[sflag:s25] =	ssyncset.done $0x0  }
0x87: {  	s4 =	sadd.s32 $0x480, s13;
	[sflag:s25] =	ssyncadd.s32 $0xFFFFE000  }
0x88: {  	[tilespmem:s18], [sflag:$0x2] =	stream.indirect.gather [hbm4b:s3+s16], $0x40, s4, s16, $0xb8;
	[tilespmem:$0x16400] =	vst v63  }
0x89: {  	_ =	swait.ge [sflag:s28], $0x2000  }
0x8a: {  	s4 =	rddreg [dreg:$0x7];
	[sflag:s28] =	ssyncset.done $0x0  }
0x8b: {  	[sflag:s28] =	ssyncadd.s32 $0xFFFFE000;
	s4 =	sadd.s32 s15, s4  }
0x8c: {  	[hbm4b:s4+s31] =	stream.strided.scatter [tilespmem:s22], [sflag:$0xC], $0x2000, s16, s31, $0x38;
	[tilespmem:$0x16400] =	vst v63  }
0x8d: {  	_ =	swait.ge [sflag:s1], $0x2000  }
0x8e: {  	[sflag:s1] =	ssyncset.done $0x0  }
0x8f: {  	s4 =	sadd.s32 $0x500, s13;
	[sflag:s1] =	ssyncadd.s32 $0xFFFFE000  }
0x90: {  	[tilespmem:s20], [sflag:$0x3] =	stream.indirect.gather [hbm4b:s3+s16], $0x40, s4, s16, $0xb8;
	[tilespmem:$0x16400] =	vst v63  }
0x91: {  	_ =	swait.ge [sflag:s2], $0x2000  }
0x92: {  	s4 =	rddreg [dreg:$0x6];
	[sflag:s2] =	ssyncset.done $0x0  }
0x93: {  	[sflag:s2] =	ssyncadd.s32 $0xFFFFE000;
	s4 =	sadd.s32 s15, s4  }
0x94: {  	[hbm4b:s4+s31] =	stream.strided.scatter [tilespmem:s24], [sflag:$0xD], $0x2000, s16, s31, $0x38;
	[tilespmem:$0x16400] =	vst v63  }
0x95: {  	_ =	swait.ge [sflag:s5], $0x2000  }
0x96: {  	[sflag:s5] =	ssyncset.done $0x0  }
0x97: {  	s4 =	sadd.s32 $0x580, s13;
	[sflag:s5] =	ssyncadd.s32 $0xFFFFE000  }
0x98: {  	[tilespmem:s22], [sflag:$0x4] =	stream.indirect.gather [hbm4b:s3+s16], $0x40, s4, s16, $0xb8;
	[tilespmem:$0x16400] =	vst v63  }
0x99: {  	_ =	swait.ge [sflag:s6], $0x2000  }
0x9a: {  	s4 =	rddreg [dreg:$0x5];
	[sflag:s6] =	ssyncset.done $0x0  }
0x9b: {  	[sflag:s6] =	ssyncadd.s32 $0xFFFFE000;
	s4 =	sadd.s32 s15, s4  }
0x9c: {  	[hbm4b:s4+s31] =	stream.strided.scatter [tilespmem:s26], [sflag:$0xE], $0x2000, s16, s31, $0x38;
	[tilespmem:$0x16400] =	vst v63  }
0x9d: {  	_ =	swait.ge [sflag:s7], $0x2000  }
0x9e: {  	[sflag:s7] =	ssyncset.done $0x0  }
0x9f: {  	s4 =	sadd.s32 $0x600, s13;
	[sflag:s7] =	ssyncadd.s32 $0xFFFFE000  }
0xa0: {  	[tilespmem:s24], [sflag:$0x5] =	stream.indirect.gather [hbm4b:s3+s16], $0x40, s4, s16, $0xb8;
	[tilespmem:$0x16400] =	vst v63  }
0xa1: {  	_ =	swait.ge [sflag:s8], $0x2000  }
0xa2: {  	s4 =	rddreg [dreg:$0x4];
	[sflag:s8] =	ssyncset.done $0x0  }
0xa3: {  	[sflag:s8] =	ssyncadd.s32 $0xFFFFE000;
	s4 =	sadd.s32 s15, s4  }
0xa4: {  	[hbm4b:s4+s31] =	stream.strided.scatter [tilespmem:s29], [sflag:$0xF], $0x2000, s16, s31, $0x38;
	[tilespmem:$0x16400] =	vst v63  }
0xa5: {  	_ =	swait.ge [sflag:s9], $0x2000  }
0xa6: {  	[sflag:s9] =	ssyncset.done $0x0  }
0xa7: {  	s4 =	sadd.s32 $0x680, s13;
	[sflag:s9] =	ssyncadd.s32 $0xFFFFE000  }
0xa8: {  	[tilespmem:s26], [sflag:$0x6] =	stream.indirect.gather [hbm4b:s3+s16], $0x40, s4, s16, $0xb8;
	[tilespmem:$0x16400] =	vst v63  }
0xa9: {  	_ =	swait.ge [sflag:s10], $0x2000  }
0xaa: {  	s4 =	rddreg [dreg:$0x3];
	[sflag:s10] =	ssyncset.done $0x0  }
0xab: {  	[sflag:s10] =	ssyncadd.s32 $0xFFFFE000;
	s4 =	sadd.s32 s15, s4  }
0xac: {  	[hbm4b:s4+s31] =	stream.strided.scatter [tilespmem:s0], [sflag:$0x10], $0x2000, s16, s31, $0x38;
	[tilespmem:$0x16400] =	vst v63  }
0xad: {  	_ =	swait.ge [sflag:s11], $0x2000  }
0xae: {  	[sflag:s11] =	ssyncset.done $0x0  }
0xaf: {  	s4 =	sadd.s32 $0x700, s13;
	[sflag:s11] =	ssyncadd.s32 $0xFFFFE000  }
0xb0: {  	[tilespmem:s29], [sflag:$0x7] =	stream.indirect.gather [hbm4b:s3+s16], $0x40, s4, s16, $0xb8;
	[tilespmem:$0x16400] =	vst v63  }
0xb1: {  	_ =	swait.ge [sflag:s30], $0x2000  }
0xb2: {  	p0 =	sne.s32 s14, $0x17000;
	s4 =	rddreg [dreg:$0xa];
	[sflag:s30] =	ssyncset.done $0x0  }
.Ltmp0:
0xb3: {  	[sflag:s30] =	ssyncadd.s32 $0xFFFFE000;
	s4 =	sadd.s32 s15, s4;
	(pc) =	sbr.rel @p0 .LBB2_2-.Ltmp0, $4  }
0xb4: {  	[hbm4b:s4+s31] =	stream.strided.scatter [tilespmem:s17], [sflag:$0x9], $0x2000, s16, s31, $0x38;
	[tilespmem:$0x16400] =	vst v63  }
0xb5: {  	_ =	swait.ge [sflag:s12], $0x2000  }
0xb6: {  	s14 =	sadd.s32 $0x1000, s14;
	[sflag:s12] =	ssyncset.done $0x0  }
0xb7: {  	s13 =	sadd.s32 $0x780, s13;
	s15 =	sadd.s32 $0x4000, s15;
	[sflag:s12] =	ssyncadd.s32 $0xFFFFE000  }
0xb8: {  	[tilespmem:s0], [sflag:$0x8] =	stream.indirect.gather [hbm4b:s3+s16], $0x40, s13, s16, $0xb8;
	[tilespmem:$0x16400] =	vst v63  }
0xb9: {  	_ =	swait.ge [sflag:s19], $0x2000  }
0xba: {  	[sflag:s19] =	ssyncset.done $0x0  }
0xbb: {  	s4 =	rddreg [dreg:$0xe];
	[sflag:s19] =	ssyncadd.s32 $0xFFFFE000  }
0xbc: {  	[hbm4b:s4+s31] =	stream.strided.scatter [tilespmem:s18], [sflag:$0xA], $0x2000, s16, s31, $0x38;
	[tilespmem:$0x16400] =	vst v63  }
0xbd: {  	_ =	swait.ge [sflag:s23], $0x2000  }
0xbe: {  	[sflag:s23] =	ssyncset.done $0x0  }
0xbf: {  	s14 =	rddreg [dreg:$0xf];
	[sflag:s23] =	ssyncadd.s32 $0xFFFFE000  }
0xc0: {  	[hbm4b:s14+s31] =	stream.strided.scatter [tilespmem:s20], [sflag:$0xB], $0x2000, s16, s31, $0x38;
	[tilespmem:$0x16400] =	vst v63  }
0xc1: {  	_ =	swait.ge [sflag:s28], $0x2000  }
0xc2: {  	[sflag:s28] =	ssyncset.done $0x0  }
0xc3: {  	s15 =	rddreg [dreg:$0x10];
	[sflag:s28] =	ssyncadd.s32 $0xFFFFE000  }
0xc4: {  	[hbm4b:s15+s31] =	stream.strided.scatter [tilespmem:s22], [sflag:$0xC], $0x2000, s16, s31, $0x38;
	[tilespmem:$0x16400] =	vst v63  }
0xc5: {  	_ =	swait.ge [sflag:s2], $0x2000  }
0xc6: {  	[sflag:s2] =	ssyncset.done $0x0  }
0xc7: {  	s13 =	rddreg [dreg:$0x11];
	[sflag:s2] =	ssyncadd.s32 $0xFFFFE000  }
0xc8: {  	[hbm4b:s13+s31] =	stream.strided.scatter [tilespmem:s24], [sflag:$0xD], $0x2000, s16, s31, $0x38;
	[tilespmem:$0x16400] =	vst v63  }
0xc9: {  	_ =	swait.ge [sflag:s6], $0x2000  }
0xca: {  	[sflag:s6] =	ssyncset.done $0x0  }
0xcb: {  	s14 =	rddreg [dreg:$0x12];
	[sflag:s6] =	ssyncadd.s32 $0xFFFFE000  }
0xcc: {  	[hbm4b:s14+s31] =	stream.strided.scatter [tilespmem:s26], [sflag:$0xE], $0x2000, s16, s31, $0x38;
	[tilespmem:$0x16400] =	vst v63  }
0xcd: {  	_ =	swait.ge [sflag:s8], $0x2000  }
0xce: {  	[sflag:s8] =	ssyncset.done $0x0  }
0xcf: {  	s15 =	rddreg [dreg:$0x13];
	[sflag:s8] =	ssyncadd.s32 $0xFFFFE000  }
0xd0: {  	[hbm4b:s15+s31] =	stream.strided.scatter [tilespmem:s29], [sflag:$0xF], $0x2000, s16, s31, $0x38;
	[tilespmem:$0x16400] =	vst v63  }
0xd1: {  	_ =	swait.ge [sflag:s10], $0x2000  }
0xd2: {  	[sflag:s10] =	ssyncset.done $0x0  }
0xd3: {  	s13 =	rddreg [dreg:$0x14];
	[sflag:s10] =	ssyncadd.s32 $0xFFFFE000  }
0xd4: {  	[hbm4b:s13+s31] =	stream.strided.scatter [tilespmem:s0], [sflag:$0x10], $0x2000, s16, s31, $0x38;
	[tilespmem:$0x16400] =	vst v63  }
0xd5: {  	_ =	swait.ge [sflag:s21], $0x2000  }
0xd6: {  	[sflag:s21] =	ssyncset.done $0x0  }
0xd7: {  	[sflag:s21] =	ssyncadd.s32 $0xFFFFE000  }
0xd8: {  	_ =	swait.ge [sflag:s25], $0x2000  }
0xd9: {  	[sflag:s25] =	ssyncset.done $0x0  }
0xda: {  	[sflag:s25] =	ssyncadd.s32 $0xFFFFE000  }
0xdb: {  	_ =	swait.ge [sflag:s1], $0x2000  }
0xdc: {  	[sflag:s1] =	ssyncset.done $0x0  }
0xdd: {  	[sflag:s1] =	ssyncadd.s32 $0xFFFFE000  }
0xde: {  	_ =	swait.ge [sflag:s5], $0x2000  }
0xdf: {  	[sflag:s5] =	ssyncset.done $0x0  }
0xe0: {  	[sflag:s5] =	ssyncadd.s32 $0xFFFFE000  }
0xe1: {  	_ =	swait.ge [sflag:s7], $0x2000  }
0xe2: {  	[sflag:s7] =	ssyncset.done $0x0  }
0xe3: {  	[sflag:s7] =	ssyncadd.s32 $0xFFFFE000  }
0xe4: {  	_ =	swait.ge [sflag:s9], $0x2000  }
0xe5: {  	[sflag:s9] =	ssyncset.done $0x0  }
0xe6: {  	[sflag:s9] =	ssyncadd.s32 $0xFFFFE000  }
0xe7: {  	_ =	swait.ge [sflag:s11], $0x2000  }
0xe8: {  	[sflag:s11] =	ssyncset.done $0x0  }
0xe9: {  	[sflag:s11] =	ssyncadd.s32 $0xFFFFE000  }
0xea: {  	_ =	swait.ge [sflag:s12], $0x2000  }
0xeb: {  	s14 =	rddreg [dreg:$0x16]  }
0xec: {  	s15 =	rddreg [dreg:$0x15];
	s13 =	sadd.s32 $0x1, s14  }
0xed: {  	p0 =	sne.s32 s13, s15  }
.Ltmp1:
0xee: {  	_ = 	snop;
	(pc) =	sbr.rel @p0 .LBB2_1-.Ltmp1, $3  }
0xef: {  	_ =	sdelay $0x1  }
0xf0: {  	[sflag:s12] =	ssyncset.done $0x0  }
0xf1: {  	[sflag:s12] =	ssyncadd.s32 $0xFFFFE000  }
0xf2: {  	_ =	sfence.sel $0x180000  }
0xf3: {  	[bflag:$0x0] =	sbarrier.arrive $0xFFFF  }
0xf4: {  	_ =	strace $0x9000004A  }
0xf5: {  	s0 =	stileid.u32;
	[bflag:$0x2] =	sbarrier.arrive $0xFFFF  }
0xf6: {  	p0 =	sne.s32 s0, $0x0;
	s0 =	rddreg [dreg:$0x2]  }
0xf7: {  	s0 =	sadd.s32 @!p0 $0x100000, s0  }
0xf8: {  	[sflag:s0] =	ssyncadd.tile.s32 @!p0 $0x1;
	_ =	shalt  }
.Lfunc_end2:
_tile_overlayer_lowered:
.L_overlay_start_2:
0xf9: {  	(tag) =	ssettag $0x2  }
0xfa: {  	s0 =	rddreg [dreg:$0x0];
	s2 =	stileid.u32  }
0xfb: {  	s1 =	rddreg [dreg:$0x1];
	p0 =	sne.s32 s2, $0x0  }
0xfc: {  	s3 =	rddreg [dreg:$0x2];
	[bflag:$0x3] =	sbarrier.arrive $0xFFFF;
	s2 =	simm.s32 @!p0 $0x1C11  }
0xfd: {  	[timem:s3], [sflag:s2] =	dma.local @!p0 [hbm:s0], s1  }
0xfe: {  	s0 =	simm.s32 @!p0 $0x11  }
0xff: {  	_ =	swait.ge @!p0 [sflag:s0], s1  }
0x100: {  	s1 =	ssub.s32 @!p0 $0x0, s1;
	[sflag:s0] =	ssyncset.done @!p0 $0x0  }
0x101: {  	[sflag:s0] =	ssyncadd.s32 @!p0 s1  }
0x102: {  	[bflag:$0x3] =	sbarrier.arrive $0xFFFF  }
0x103: {  	_ =	shalt  }

// kernel: sparse-core-data-format-call.1.cloned.1.call-start
scs
called_computation.1_lowered:
.L_overlay_start_0:
0x0: {  	s2 =	sld [smem:$0x3FD9]  }
0x1: {  	s3 =	sld [smem:$0x3FFE];
	_ =	sdelay $0x1  }
0x2: {  	s1 =	srdreg.scid  }
0x3: {  	s0 =	sand.u32 $0x1, s1  }
0x4: {  	s18 =	sshll.u32 s0, $0xA;
	s2 =	sadd.s32 s3, s2  }
0x5: {  	s2 =	sadd.s32 s2, s18  }
0x6: {  	[smem:$0x3FC6] =	sst s2  }
0x7: {  	_ = 	snop  }
0x8: {  	s2 =	sld [smem:$0x3FC8];
	(tm) =	ssettm $0x1  }
0x9: {  	s19 =	sld [smem:$0x3FFB];
	_ =	sdelay $0x3  }
0xa: {  	_ =	strace s19  }
0xb: {  	s3 =	sld [smem:$0x3FFC];
	_ =	sdelay $0x3  }
0xc: {  	_ =	strace s3  }
0xd: {  	s3 =	sld [smem:$0x3FFD];
	_ =	sdelay $0x3  }
0xe: {  	_ =	strace s3  }
0xf: {  	_ =	strace $0x8FFFFFFF  }
0x10: {  	s20 =	sld [smem:$0x3FDB];
	_ =	sdelay $0x1  }
0x11: {  	s4 =	simm.s32 $_scs_section_size  }
0x12: {  	s5 =	simm.s32 $_size__tile_overlayer_lowered;
	s6 =	simm.s32 $_tile_overlayer_lowered  }
0x13: {  	s23 =	simm.s32 $0x1BFF;
	s22 =	sshll.u32 s6, $0x1;
	s3 =	sadd.s32 s4, s20  }
0x14: {  	s7 =	simm.s32 $0x0;
	s21 =	sshll.u32 s5, $0x1;
	s5 =	sadd.s32 s22, s3  }
0x15: {  	[timem:s7], [sflag:s23] =	dma.local [hbm:s5], s21  }
0x16: {  	_ =	swait.ge [sflag:s23], s21  }
0x17: {  	s4 =	ssub.s32 $0x0, s21;
	[sflag:s23] =	ssyncset.done $0x0  }
0x18: {  	[sflag:s23] =	ssyncadd.s32 s4;
	_ =	sdelay $0x1  }
0x19: {  	s24 =	simm.s32 $0x1B8B  }
0x1a: {  	_ =	swait.ge [sflag:s24], $0x1  }
0x1b: {  	[sflag:s24] =	ssyncset.done $0x0  }
0x1c: {  	s26 =	simm.s32 $0x1B8E;
	s25 =	sld [smem:$0x3FFE];
	[sflag:s24] =	ssyncadd.s32 $0xFFFFFFFF  }
0x1d: {  	s27 =	simm.s32 $execute0_lowered;
	[smem:$0x3FD2] =	sst s26  }
0x1e: {  	s5 =	sshll.u32 s27, $0x1;
	_ =	strace $0x80000046;
	[dreg:$0x1] =	wrdreg $0xFFFFFFFF  }
0x1f: {  	s28 =	simm.s32 $_size_execute0_lowered;
	s3 =	sadd.s32 s3, s5;
	[dreg:$0x0] =	wrdreg $0x0  }
0x20: {  	s5 =	sshll.u32 s28, $0x1;
	[dreg:$0x2] =	wrdreg s3  }
0x21: {  	[dreg:$0x3] =	wrdreg s5  }
0x22: {  	[dreg:$0x4] =	wrdreg $0xC0  }
0x23: {  	_ =	task [dreg:s7], $0x5FFFF  }
0x24: {  	[dreg:$0x1] =	wrdreg $0xFFFFFFFF  }
0x25: {  	[dreg:$0x0] =	wrdreg $0x60  }
0x26: {  	[dreg:$0x2] =	wrdreg s2  }
0x27: {  	[dreg:$0x3] =	wrdreg s25  }
0x28: {  	[dreg:$0x4] =	wrdreg $0x9  }
0x29: {  	_ =	task.clear_ibuf [dreg:s7], $0x5FFFF;
	_ =	strace $0x90000046  }
0x2a: {  	s29 =	simm.s32 $0x9;
	_ =	strace $0x80000048  }
0x2b: {  	_ =	swait.ge [sflag:s29], $0x1  }
0x2c: {  	[sflag:s29] =	ssyncadd.s32 $0xFFFFFFFF  }
0x2d: {  	_ =	strace $0x90000048  }
0x2e: {  	_ =	sfence  }
0x2f: {  	s30 =	sld [smem:$0x0];
	_ =	sdelay $0x2  }
0x30: {  	s31 =	sshll.u32 s1, $0xD;
	s1 =	sshrl.u32 s1, $0x2  }
0x31: {  	s3 =	sand.u32 $0x4000, s31;
	s1 =	sadd.s32 s1, s30  }
0x32: {  	s0 =	sor.u32 s3, s0;
	s1 =	sshll.u32 s1, $0x11  }
0x33: {  	s0 =	sor.u32 s1, s0  }
0x34: {  	s0 =	sadd.s32 $0x8F2B, s0  }
0x35: {  	[sflag:s0] =	ssyncadd.remote.s32 $0x1  }
0x36: {  	_ =	sfence.sel $0xFFFF  }
0x37: {  	[dreg:$0x0] =	wrdreg $0xFFFFFFFF;
	(pc) =	sbr.abs _section_cstart, $3  }
0x38: {  	[dreg:$0x1] =	wrdreg $0xFFFFFFFF  }
0x39: {  	_ =	task.clear_ibuf [dreg:s7], $0x2FFFF;
	_ =	strace $0x9FFFFFFF  }
0x3a: {  	(tm) =	ssettm $0x7FFFFFFF  }
0x3b: {  	_ =	shalt  }
tec
execute0_lowered:
.L_overlay_start_1:
0x0: {  	(tag) =	ssettag $0x1  }
0x1: {  	s0 =	srdreg.scid;
	s2 =	rddreg [dreg:$0x0]  }
0x2: {  	s5 =	rddreg [dreg:$0x1];
	s1 =	stileid.u32  }
0x3: {  	s4 =	simm.s32 $0x1;
	s6 =	simm.s32 $0x2;
	s15 =	simm.s32 $0x0  }
0x4: {  	p0 =	por $0x0, $0x0;
	s8 =	simm.s32 $0x80;
	s0 =	sshll.u32 s0, $0x4  }
0x5: {  	s14 =	simm.s32 $0x0;
	s9 =	simm.s32 $0x0;
	s3 =	sand.u32 $0x10, s0  }
.Ltmp0:
0x6: {  	s10 =	simm.s32 $0x0;
	s3 =	sor.u32 s1, s3;
	(pc) =	sbr.rel .LBB1_1-.Ltmp0, $4  }
0x7: {  	s0 =	rddreg [dreg:$0x2];
	_ =	strace $0x80000047;
	s3 =	sshll.u32 s3, $0x7  }
0x8: {  	s12 =	simm.s32 $0x0;
	[sflag:s4] =	ssyncpa.u1 $0x0;
	s7 =	ssub.s32 $0xF4200, s3  }
0x9: {  	s13 =	simm.s32 $0x0;
	[sflag:s6] =	ssyncpa.u1 $0x0;
	s6 =	sshrl.u32 s7, $0xC  }
0xa: {  	s5 =	sadd.s32 $0xE00, s5;
	s11 =	smov.u32 s3;
	s7 =	sadd.s32 $0x2, s6  }
.LBB1_5:
0xb: {  	p1 =	slt.u32 s13, $0x2  }
0xc: {  	s17 =	smov.u32 s15;
	p2 =	sgt.s32 @!p1 s15, $0xF41C0;
	s16 =	sshra.s32 @!p1 s15, $0x1F  }
0xd: {  	p3 =	sgt.s32 @!p1 s14, $0x40;
	s18 =	sshra.s32 @!p1 s14, $0x1F;
	p2 =	por !p2, p1  }
0xe: {  	s15 =	sand.u32 @!p1 s16, s15;
	p3 =	por !p3, p1;
	s16 =	smov.u32 s14  }
0xf: {  	s14 =	sand.u32 @!p1 s18, s14;
	s17 =	simm.s32 @p2 $0xF41C0;
	s16 =	simm.s32 @p3 $0x40  }
0x10: {  	s15 =	ssub.s32 @!p1 s17, s15;
	s14 =	ssub.s32 @!p1 s16, s14  }
0x11: {  	s18 =	smov.u32 s12;
	s16 =	sadd.s32 @!p1 $0xFFF0BE40, s15;
	s17 =	sadd.s32 @!p1 $0xFFFFFFC0, s14  }
0x12: {  	s15 =	ssub.s32 @!p1 $0xF4240, s15;
	p2 =	sgt.s32 @!p1 s16, $0x7F;
	p3 =	sgt.s32 @!p1 s17, $0x3F  }
0x13: {  	s14 =	ssub.s32 @!p1 $0x80, s14;
	p2 =	por !p2, p1;
	p3 =	por !p3, p1  }
0x14: {  	s16 =	sadd.s32 $0x1000, s11;
	s15 =	simm.s32 @!p2 $0x0;
	s14 =	simm.s32 @!p3 $0x0  }
0x15: {  	p2 =	sgt.s32 s16, $0xF423F;
	s14 =	smul.u32 @!p1 s14, s15;
	s15 =	sadd.s32 $0x40, s12  }
0x16: {  	s18 =	smov.u32 @p2 s15  }
0x17: {  	s16 =	smov.u32 @p2 s3;
	p2 =	sgt.s32 s18, $0x3F  }
0x18: {  	s18 =	simm.s32 @p2 $0x0;
	p2 =	sne.s32 s13, s7  }
.Ltmp1:
0x19: {  	p0 =	por !p0, !p0;
	s17 =	simm.s32 @!p1 $0x2;
	(pc) =	sbr.rel @!p2 .LBB1_6-.Ltmp1, $4  }
0x1a: {  	s15 =	smov.u32 s9;
	s9 =	smov.u32 s11;
	s14 =	sand.u32 @!p1 $0x3FFFFFFF, s14  }
0x1b: {  	s11 =	smov.u32 s16;
	_ =	swait.ge @!p1 [sflag:s17], s14;
	s19 =	ssub.s32 @!p1 $0x0, s14  }
0x1c: {  	s14 =	smov.u32 s10;
	s13 =	sadd.s32 $0x1, s13;
	[sflag:s17] =	ssyncset.done @!p1 $0x0  }
0x1d: {  	s10 =	smov.u32 s12;
	s12 =	smov.u32 s18;
	[sflag:s17] =	ssyncadd.s32 @!p1 s19  }
.LBB1_1:
0x1e: {  	p1 =	sgt.u32 s13, s6  }
0x1f: {  	s16 =	sshrl.u32 @!p1 s12, $0x3  }
0x20: {  	s17 =	sshll.u32 @!p1 s11, $0x3;
	s16 =	smul.u32 @!p1 $0x7A1400, s16  }
0x21: {  	s18 =	sshll.u32 @!p1 s12, $0x7;
	s17 =	sand.u32 @!p1 $0xFFFFFC00, s17  }
0x22: {  	s16 =	sadd.s32 @!p1 s16, s17;
	s17 =	sand.u32 @!p1 $0x380, s18  }
0x23: {  	s18 =	sand.u32 @!p1 $0x7F, s11;
	s16 =	sor.u32 @!p1 s17, s16  }
0x24: {  	s17 =	sor.u32 @!p1 s18, s16  }
0x25: {  	s18 =	smulhi.u32 @!p1 $0x218D6287, s17;
	_ =	sdelay $0x1  }
0x26: {  	s16 =	smulhi.u32 @!p1 $0x218D6287, s16;
	s18 =	sshrl.u32 @!p1 s18, $0x11  }
0x27: {  	s18 =	smul.u32 @!p1 $0xF4280, s18  }
0x28: {  	s19 =	sxor.u32 @!p1 $0xFFFFFFFF, s13;
	s16 =	sshrl.u32 @!p1 s16, $0x11  }
0x29: {  	s19 =	sshll.u32 @!p1 s19, $0xD;
	s16 =	sand.u32 @!p1 $0x3F, s16;
	s17 =	ssub.s32 @!p1 s17, s18  }
0x2a: {  	s16 =	smul.u32 @!p1 $0x1E850, s16;
	s18 =	sshrl.u32 @!p1 s17, $0x3;
	s17 =	sand.u32 @!p1 $0x7, s17  }
0x2b: {  	s19 =	sand.u32 @!p1 $0x2000, s19;
	s18 =	sadd.s32 @!p1 s2, s18;
	s17 =	sshll.u32 @!p1 s17, $0x12  }
0x2c: {  	s16 =	sadd.s32 @!p1 s16, s18;
	s17 =	sor.u32 @!p1 $0x400, s17;
	s18 =	simm.s32 @!p1 $0x7A1400  }
0x2d: {  	[tilespmem:s19], [sflag:$0x1] =	stream.strided.gather @!p1 [hbm4b:s16+s17], $0x2000, s18, s17, $0x38;
	[tilespmem:$0x8100] =	vst v63  }
0x2e: {  	p1 =	seq.s32 s13, $0x0  }
0x2f: {  	p2 =	sge.u32 @!p1 s13, s7  }
0x30: {  	p1 =	por p1, p2  }
.Ltmp2:
0x31: {  	_ = 	snop;
	(pc) =	sbr.rel @p1 .LBB1_5-.Ltmp2, $1  }
0x32: {  	_ =	sdelay $0x3  }
0x33: {  	s16 =	simm.s32 $0x1  }
0x34: {  	_ =	swait.ge [sflag:s4], $0x2000;
	s16 =	simm.s32 @!p0 $0x0  }
0x35: {  	[sflag:s4] =	ssyncset.done $0x0;
	s17 =	sshll.u32 s16, $0xD  }
0x36: {  	[sflag:s4] =	ssyncadd.s32 $0xFFFFE000;
	s17 =	sor.u32 $0x40, s17  }
0x37: {  	s16 =	smul.u32 $0x8200, s16;
	v0 =	vld [tilespmem:s17+$0x30]  }
0x38: {  	v1 =	vld [tilespmem:s17+$0xFFFFFFD0]  }
0x39: {  	s16 =	sshrl.u32 s16, $0x2;
	v5 =	vld [tilespmem:s17+$0xFFFFFFE0]  }
0x3a: {  	v6 =	vld [tilespmem:s17+$0xFFFFFFF0];
	s19 =	sor.u32 $0x4000, s16  }
0x3b: {  	s31 =	sand.u32 $0x1, s13;
	v4 =	vld [tilespmem:s17+$0x0];
	s18 =	sadd.s32 $0x0, s19  }
0x3c: {  	v3 =	vld [tilespmem:s17+$0x10];
	s16 =	smul.u32 $0x8200, s31;
	[tilespmem:s18+$0x1C70 ss:$0x41] =	vst.msk $0xffff, v0  }
0x3d: {  	v2 =	vld [tilespmem:s17+$0x20];
	[tilespmem:s18+$0x410 ss:$0x41] =	vst.msk $0xffff, v1  }
0x3e: {  	s16 =	sshrl.u32 s16, $0x2;
	v1 =	vld [tilespmem:s17+$0xFFFFFFC0];
	[tilespmem:s18+$0x820 ss:$0x41] =	vst.msk $0xffff, v5;
	s17 =	sadd.s32 $0x80, s17  }
0x3f: {  	s20 =	simm.s32 $0x4;
	s21 =	simm.s32 $0x8;
	s16 =	sor.u32 $0x4000, s16;
	[tilespmem:s18+$0xC30 ss:$0x41] =	vst.msk $0xffff, v6;
	v0 =	vld [tilespmem:s17+$0x30]  }
.LBB1_3:
0x40: {  	p1 =	sne.s32 s21, $0xFC;
	v5 =	vld [tilespmem:s17+$0xFFFFFFD0];
	[tilespmem:s18+$0x1040 ss:$0x41] =	vst.msk $0xffff, v4  }
0x41: {  	v6 =	vld [tilespmem:s17+$0xFFFFFFE0];
	[tilespmem:s18+$0x1450 ss:$0x41] =	vst.msk $0xffff, v3  }
0x42: {  	s22 =	sshra.s32 s20, $0x2;
	s20 =	smov.u32 s21;
	v7 =	vld [tilespmem:s17+$0xFFFFFFF0];
	[tilespmem:s18+$0x1860 ss:$0x41] =	vst.msk $0xffff, v2  }
.Ltmp3:
0x43: {  	v4 =	vld [tilespmem:s17+$0x0];
	[tilespmem:s18+$0x0 ss:$0x41] =	vst.msk $0xffff, v1;
	s18 =	sadd.s32 s22, s19;
	(pc) =	sbr.rel @p1 .LBB1_3-.Ltmp3, $4  }
0x44: {  	v3 =	vld [tilespmem:s17+$0x10];
	[tilespmem:s18+$0x1C70 ss:$0x41] =	vst.msk $0xffff, v0  }
0x45: {  	[tilespmem:s18+$0x410 ss:$0x41] =	vst.msk $0xffff, v5;
	v2 =	vld [tilespmem:s17+$0x20]  }
0x46: {  	v1 =	vld [tilespmem:s17+$0xFFFFFFC0];
	[tilespmem:s18+$0x820 ss:$0x41] =	vst.msk $0xffff, v6;
	s17 =	sadd.s32 $0x80, s17  }
0x47: {  	s21 =	sadd.s32 $0x4, s21;
	v0 =	vld [tilespmem:s17+$0x30];
	[tilespmem:s18+$0xC30 ss:$0x41] =	vst.msk $0xffff, v7  }
0x48: {  	s21 =	sshll.u32 s9, $0x7;
	s22 =	sshll.u32 s10, $0x3;
	s20 =	sshra.s32 s20, $0x2  }
0x49: {  	p1 =	sgt.s32 s9, $0xF41C0;
	s30 =	sshra.s32 s9, $0x1F;
	s25 =	sshra.s32 s10, $0x1F  }
0x4a: {  	v5 =	vld [tilespmem:s17+$0xFFFFFFD0];
	s28 =	sshrl.u32 s10, $0x3;
	s23 =	sand.u32 $0xFFFFFC00, s21;
	s22 =	sand.u32 $0xFFFFFC00, s22  }
0x4b: {  	[tilespmem:s18+$0x1040 ss:$0x41] =	vst.msk $0xffff, v4;
	v58 =	vld [tilespmem:s17+$0xFFFFFFE0];
	s21 =	sand.u32 $0x380, s21;
	s19 =	sadd.s32 s20, s19;
	s22 =	sadd.s32 s22, s23  }
0x4c: {  	v59 =	vld [tilespmem:s17+$0xFFFFFFF0];
	[tilespmem:s18+$0x1450 ss:$0x41] =	vst.msk $0xffff, v3;
	s29 =	sor.u32 s21, s22;
	s21 =	smov.u32 s9;
	s22 =	sand.u32 s30, s9  }
0x4d: {  	v60 =	vld [tilespmem:s17+$0x0];
	[tilespmem:s18+$0x1860 ss:$0x41] =	vst.msk $0xffff, v2;
	s30 =	sand.u32 $0x7, s10;
	s20 =	sshrl.u32 s29, $0x7;
	s21 =	simm.s32 @!p1 $0xF41C0  }
0x4e: {  	v61 =	vld [tilespmem:s17+$0x10];
	[tilespmem:s18+$0x0 ss:$0x41] =	vst.msk $0xffff, v1;
	p1 =	sgt.s32 s10, $0x40;
	s24 =	ssub.s32 s21, s22;
	s21 =	smov.u32 s10  }
0x4f: {  	v62 =	vld [tilespmem:s17+$0x20];
	[tilespmem:s19+$0x1C70 ss:$0x41] =	vst.msk $0xffff, v0;
	s31 =	smulhi.u32 $0x218DEF5, s20;
	s22 =	sand.u32 s25, s10;
	s21 =	simm.s32 @!p1 $0x40  }
0x50: {  	v63 =	vld [tilespmem:s17+$0xFFFFFFC0];
	[tilespmem:s19+$0x410 ss:$0x41] =	vst.msk $0xffff, v5;
	s26 =	sadd.s32 $0xFFF0BE40, s24;
	s17 =	ssub.s32 $0xF4240, s24;
	s21 =	ssub.s32 s21, s22  }
0x51: {  	[tilespmem:s19+$0x820 ss:$0x41] =	vst.msk $0xffff, v58;
	s23 =	sshrl.u32 s31, $0xD;
	p1 =	sgt.s32 s26, $0x7F;
	s27 =	sadd.s32 $0xFFFFFFC0, s21  }
0x52: {  	[tilespmem:s19+$0xC30 ss:$0x41] =	vst.msk $0xffff, v59;
	s23 =	smul.u32 $0xF4240, s23;
	s18 =	ssub.s32 $0x80, s21;
	p2 =	sgt.s32 s27, $0x3F  }
.Ltmp4:
0x53: {  	[tilespmem:s19+$0x1040 ss:$0x41] =	vst.msk $0xffff, v60;
	s17 =	simm.s32 @p1 $0x0;
	s18 =	simm.s32 @p2 $0x0;
	(pc) =	sbr.rel .LBB1_5-.Ltmp4, $4  }
0x54: {  	s29 =	sand.u32 $0xF, s28;
	[tilespmem:s19+$0x1450 ss:$0x41] =	vst.msk $0xffff, v61;
	s20 =	ssub.s32 s20, s23;
	s17 =	smul.u32 s18, s17  }
0x55: {  	[tilespmem:s19+$0x1860 ss:$0x41] =	vst.msk $0xffff, v62;
	s21 =	sshll.u32 s30, $0x12;
	s20 =	sshll.u32 s20, $0x4;
	s18 =	sadd.s32 s5, s29  }
0x56: {  	[tilespmem:s19+$0x0 ss:$0x41] =	vst.msk $0xffff, v63;
	s31 =	sor.u32 $0x40, s21;
	s18 =	sadd.s32 s20, s18;
	s17 =	sand.u32 $0x3FFFFFFF, s17  }
0x57: {  	[hbm4b:s18+s31] =	stream.strided.scatter [tilespmem:s16], [sflag:$0x2], s17, s8, s31, $0x18;
	[tilespmem:$0x8100] =	vst v63  }
.LBB1_6:
0x58: {  	_ =	sfence.sel $0x180000  }
0x59: {  	s2 =	simm.s32 $0x1;
	[bflag:$0x0] =	sbarrier.arrive $0xFFFF  }
0x5a: {  	s31 =	simm.s32 $0x2;
	[sflag:s2] =	ssyncpa.u1 $0x1  }
0x5b: {  	[sflag:s31] =	ssyncpa.u1 $0x1  }
0x5c: {  	p0 =	sne.s32 s1, $0x0;
	_ =	strace $0x90000047  }
0x5d: {  	s0 =	sadd.s32 @!p0 $0x100000, s0;
	[bflag:$0x2] =	sbarrier.arrive $0xFFFF  }
0x5e: {  	[sflag:s0] =	ssyncadd.tile.s32 @!p0 $0x1;
	_ =	shalt  }
.Lfunc_end1:
_tile_overlayer_lowered:
.L_overlay_start_2:
0x5f: {  	(tag) =	ssettag $0x2  }
0x60: {  	s0 =	rddreg [dreg:$0x0];
	s2 =	stileid.u32  }
0x61: {  	s1 =	rddreg [dreg:$0x1];
	p0 =	sne.s32 s2, $0x0  }
0x62: {  	s3 =	rddreg [dreg:$0x2];
	[bflag:$0x3] =	sbarrier.arrive $0xFFFF;
	s2 =	simm.s32 @!p0 $0x1C01  }
0x63: {  	[timem:s3], [sflag:s2] =	dma.local @!p0 [hbm:s0], s1  }
0x64: {  	s0 =	simm.s32 @!p0 $0x1  }
0x65: {  	_ =	swait.ge @!p0 [sflag:s0], s1  }
0x66: {  	s1 =	ssub.s32 @!p0 $0x0, s1;
	[sflag:s0] =	ssyncset.done @!p0 $0x0  }
0x67: {  	[sflag:s0] =	ssyncadd.s32 @!p0 s1  }
0x68: {  	[bflag:$0x3] =	sbarrier.arrive $0xFFFF  }
0x69: {  	_ =	shalt  }

// kernel: sparse-core-data-format-call.cloned.1.call-start
scs
called_computation_lowered:
.L_overlay_start_0:
0x0: {  	s2 =	sld [smem:$0x3FD9]  }
0x1: {  	s3 =	sld [smem:$0x3FFE];
	_ =	sdelay $0x1  }
0x2: {  	s1 =	srdreg.scid  }
0x3: {  	s0 =	sand.u32 $0x1, s1  }
0x4: {  	s18 =	sshll.u32 s0, $0xA;
	s2 =	sadd.s32 s3, s2  }
0x5: {  	s2 =	sadd.s32 s2, s18  }
0x6: {  	[smem:$0x3FC6] =	sst s2  }
0x7: {  	_ = 	snop  }
0x8: {  	s2 =	sld [smem:$0x3FD0];
	(tm) =	ssettm $0x1  }
0x9: {  	s19 =	sld [smem:$0x3FFB];
	_ =	sdelay $0x3  }
0xa: {  	_ =	strace s19  }
0xb: {  	s3 =	sld [smem:$0x3FFC];
	_ =	sdelay $0x3  }
0xc: {  	_ =	strace s3  }
0xd: {  	s3 =	sld [smem:$0x3FFD];
	_ =	sdelay $0x3  }
0xe: {  	_ =	strace s3  }
0xf: {  	_ =	strace $0x8FFFFFFF  }
0x10: {  	s20 =	sld [smem:$0x3FDB];
	_ =	sdelay $0x1  }
0x11: {  	s4 =	simm.s32 $_scs_section_size  }
0x12: {  	s5 =	simm.s32 $_size__tile_overlayer_lowered;
	s6 =	simm.s32 $_tile_overlayer_lowered  }
0x13: {  	s23 =	simm.s32 $0x1BFF;
	s22 =	sshll.u32 s6, $0x1;
	s3 =	sadd.s32 s4, s20  }
0x14: {  	s7 =	simm.s32 $0x0;
	s21 =	sshll.u32 s5, $0x1;
	s5 =	sadd.s32 s22, s3  }
0x15: {  	[timem:s7], [sflag:s23] =	dma.local [hbm:s5], s21  }
0x16: {  	_ =	swait.ge [sflag:s23], s21  }
0x17: {  	s4 =	ssub.s32 $0x0, s21;
	[sflag:s23] =	ssyncset.done $0x0  }
0x18: {  	[sflag:s23] =	ssyncadd.s32 s4;
	_ =	sdelay $0x1  }
0x19: {  	s24 =	simm.s32 $0x1B8B  }
0x1a: {  	_ =	swait.ge [sflag:s24], $0x1  }
0x1b: {  	[sflag:s24] =	ssyncset.done $0x0  }
0x1c: {  	s26 =	simm.s32 $0x1B8E;
	s25 =	sld [smem:$0x3FFE];
	[sflag:s24] =	ssyncadd.s32 $0xFFFFFFFF  }
0x1d: {  	s27 =	simm.s32 $execute0_lowered;
	[smem:$0x3FD2] =	sst s26  }
0x1e: {  	s5 =	sshll.u32 s27, $0x1;
	_ =	strace $0x8000004C;
	[dreg:$0x1] =	wrdreg $0xFFFFFFFF  }
0x1f: {  	s28 =	simm.s32 $_size_execute0_lowered;
	s3 =	sadd.s32 s3, s5;
	[dreg:$0x0] =	wrdreg $0x0  }
0x20: {  	s5 =	sshll.u32 s28, $0x1;
	[dreg:$0x2] =	wrdreg s3  }
0x21: {  	[dreg:$0x3] =	wrdreg s5  }
0x22: {  	[dreg:$0x4] =	wrdreg $0xC0  }
0x23: {  	_ =	task [dreg:s7], $0x5FFFF  }
0x24: {  	[dreg:$0x1] =	wrdreg $0xFFFFFFFF  }
0x25: {  	[dreg:$0x0] =	wrdreg $0x60  }
0x26: {  	[dreg:$0x2] =	wrdreg s25  }
0x27: {  	[dreg:$0x3] =	wrdreg s2  }
0x28: {  	[dreg:$0x4] =	wrdreg $0x9  }
0x29: {  	_ =	task.clear_ibuf [dreg:s7], $0x5FFFF;
	_ =	strace $0x9000004C  }
0x2a: {  	s29 =	simm.s32 $0x9;
	_ =	strace $0x8000004E  }
0x2b: {  	_ =	swait.ge [sflag:s29], $0x1  }
0x2c: {  	[sflag:s29] =	ssyncadd.s32 $0xFFFFFFFF  }
0x2d: {  	_ =	strace $0x9000004E  }
0x2e: {  	_ =	sfence  }
0x2f: {  	s30 =	sld [smem:$0x0];
	_ =	sdelay $0x2  }
0x30: {  	s31 =	sshll.u32 s1, $0xD;
	s1 =	sshrl.u32 s1, $0x2  }
0x31: {  	s3 =	sand.u32 $0x4000, s31;
	s1 =	sadd.s32 s1, s30  }
0x32: {  	s0 =	sor.u32 s3, s0;
	s1 =	sshll.u32 s1, $0x11  }
0x33: {  	s0 =	sor.u32 s1, s0  }
0x34: {  	s0 =	sadd.s32 $0x8F2B, s0  }
0x35: {  	[sflag:s0] =	ssyncadd.remote.s32 $0x1  }
0x36: {  	_ =	sfence.sel $0xFFFF  }
0x37: {  	[dreg:$0x0] =	wrdreg $0xFFFFFFFF;
	(pc) =	sbr.abs _section_cstart, $3  }
0x38: {  	[dreg:$0x1] =	wrdreg $0xFFFFFFFF  }
0x39: {  	_ =	task.clear_ibuf [dreg:s7], $0x2FFFF;
	_ =	strace $0x9FFFFFFF  }
0x3a: {  	(tm) =	ssettm $0x7FFFFFFF  }
0x3b: {  	_ =	shalt  }
tec
execute0_lowered:
.L_overlay_start_1:
0x0: {  	(tag) =	ssettag $0x1  }
0x1: {  	s0 =	srdreg.scid  }
0x2: {  	s1 =	sshll.u32 s0, $0x4  }
0x3: {  	s0 =	stileid.u32;
	s1 =	sand.u32 $0x10, s1  }
0x4: {  	s1 =	sor.u32 s0, s1  }
0x5: {  	s6 =	rddreg [dreg:$0x0];
	s4 =	simm.s32 $0x1;
	s2 =	sshll.u32 s1, $0x7  }
0x6: {  	s7 =	simm.s32 $0x2;
	s12 =	simm.s32 $0x0;
	s1 =	ssub.s32 $0x1000, s2  }
0x7: {  	s8 =	simm.s32 $0x8000;
	s13 =	simm.s32 $0x0;
	s3 =	sand.u32 $0xF80, s1  }
0x8: {  	s9 =	simm.s32 $0x0;
	s5 =	sshrl.u32 s1, $0xC;
	p0 =	sne.s32 s3, $0x0  }
.Ltmp0:
0x9: {  	s1 =	rddreg [dreg:$0x2];
	s4 =	simm.s32 @!p0 $0x0;
	(pc) =	sbr.rel .LBB1_1-.Ltmp0, $4  }
0xa: {  	s11 =	simm.s32 $0x0;
	s3 =	rddreg [dreg:$0x1];
	s5 =	sadd.s32 s4, s5  }
0xb: {  	_ =	strace $0x8000004D;
	s4 =	simm.s32 $0x1;
	s5 =	smul.u32 $0xC8, s5  }
0xc: {  	s6 =	sadd.s32 $0xE00, s6;
	s10 =	smov.u32 s2;
	[sflag:s4] =	ssyncpa.u1 $0x0  }
0xd: {  	p0 =	por $0x0, $0x0;
	[sflag:s7] =	ssyncpa.u1 $0x0;
	s7 =	sor.u32 $0x1, s5  }
.LBB1_4:
0xe: {  	s16 =	sshll.u32 s13, $0x3;
	s17 =	sand.u32 $0x78, s13  }
0xf: {  	s30 =	sand.u32 $0x7E00, s13;
	s12 =	sshll.u32 s12, $0xF;
	s16 =	sand.u32 $0xC00, s16  }
0x10: {  	[tilespmem:s15+$0x810 ss:$0x81] =	vst.msk $0xffff, v2;
	s31 =	sand.u32 $0x7, s13;
	s16 =	sor.u32 s17, s16;
	s17 =	sadd.s32 s3, s30  }
0x11: {  	[tilespmem:s15+$0x1020 ss:$0x81] =	vst.msk $0xffff, v0;
	s13 =	sshll.u32 s31, $0x12;
	s12 =	sadd.s32 s12, s17;
	s16 =	sshrl.u32 s16, $0x3  }
0x12: {  	[tilespmem:s15+$0x0 ss:$0x81] =	vst.msk $0xffff, v1;
	s13 =	sor.u32 $0x400, s13;
	s12 =	sadd.s32 s16, s12  }
0x13: {  	[hbm4b:s12+s13] =	stream.strided.scatter [tilespmem:s14], [sflag:$0x2], $0x2000, s8, s13, $0x20;
	[tilespmem:$0x8080] =	vst v63  }
.LBB1_5:
0x14: {  	s14 =	sadd.s32 $0x1, s9  }
0x15: {  	s12 =	sadd.s32 $0x1000, s10;
	s16 =	smov.u32 s10;
	p2 =	sgt.s32 s14, $0xC7  }
0x16: {  	s16 =	smov.u32 @p2 s12  }
0x17: {  	s14 =	simm.s32 @p2 $0x0;
	p2 =	sgt.s32 s16, $0xFFF  }
0x18: {  	s16 =	smov.u32 @p2 s2;
	p2 =	sne.s32 s11, s7  }
.Ltmp1:
0x19: {  	p1 =	slt.u32 s11, $0x2;
	(pc) =	sbr.rel @!p2 .LBB1_6-.Ltmp1, $4  }
0x1a: {  	s15 =	simm.s32 @!p1 $0x2  }
0x1b: {  	s13 =	smov.u32 s10;
	p0 =	por !p0, !p0;
	_ =	swait.ge @!p1 [sflag:s15], $0x2000  }
0x1c: {  	s12 =	smov.u32 s9;
	[sflag:s15] =	ssyncset.done @!p1 $0x0;
	s9 =	smov.u32 s14  }
0x1d: {  	s11 =	sadd.s32 $0x1, s11;
	[sflag:s15] =	ssyncadd.s32 @!p1 $0xFFFFE000;
	s10 =	smov.u32 s16  }
.LBB1_1:
0x1e: {  	p1 =	sge.u32 s11, s5  }
0x1f: {  	s14 =	sand.u32 @!p1 $0x1FFFFFF, s9  }
0x20: {  	s15 =	smulhi.u32 @!p1 $0x147AE15, s14;
	_ =	sdelay $0x1  }
0x21: {  	s15 =	smul.u32 @!p1 $0xC8, s15  }
0x22: {  	s16 =	sxor.u32 @!p1 $0xFFFFFFFF, s11;
	s17 =	smul.u32 @!p1 $0xC80, s10  }
0x23: {  	s31 =	sadd.s32 $0xFFFFFFFF, s11;
	s16 =	sshll.u32 @!p1 s16, $0xD;
	s14 =	ssub.s32 @!p1 s14, s15  }
0x24: {  	s15 =	sand.u32 @!p1 $0x2000, s16;
	s16 =	sadd.s32 @!p1 s6, s17;
	s14 =	sshll.u32 @!p1 s14, $0x4  }
0x25: {  	s17 =	simm.s32 @!p1 $0x6400;
	s14 =	sadd.s32 @!p1 s14, s16;
	s16 =	simm.s32 @!p1 $0x40  }
0x26: {  	[tilespmem:s15], [sflag:$0x1] =	stream.strided.gather @!p1 [hbm4b:s14+s16], $0x2000, s17, s16, $0x38;
	[tilespmem:$0x8080] =	vst v63  }
0x27: {  	p1 =	sge.u32 s31, s5  }
.Ltmp2:
0x28: {  	_ = 	snop;
	(pc) =	sbr.rel @p1 .LBB1_5-.Ltmp2, $1  }
0x29: {  	_ =	sdelay $0x3  }
0x2a: {  	s14 =	simm.s32 $0x1  }
0x2b: {  	_ =	swait.ge [sflag:s4], $0x2000;
	s14 =	simm.s32 @!p0 $0x0  }
0x2c: {  	[sflag:s4] =	ssyncset.done $0x0;
	s15 =	sshll.u32 s14, $0xD  }
0x2d: {  	[sflag:s4] =	ssyncadd.s32 $0xFFFFE000;
	s18 =	sor.u32 $0x20, s15  }
0x2e: {  	s14 =	smul.u32 $0x8100, s14;
	v3 =	vld [tilespmem:s18+$0x10]  }
0x2f: {  	s30 =	sand.u32 $0x1, s11;
	v2 =	vld [tilespmem:s18+$0xFFFFFFF0]  }
0x30: {  	s15 =	smul.u32 $0x8100, s30;
	s14 =	sshrl.u32 s14, $0x2;
	v0 =	vld [tilespmem:s18+$0x0]  }
0x31: {  	v1 =	vld [tilespmem:s18+$0xFFFFFFE0];
	s16 =	sor.u32 $0x4000, s14  }
0x32: {  	s31 =	sshrl.u32 s15, $0x2;
	s15 =	sadd.s32 $0x0, s16  }
0x33: {  	s17 =	simm.s32 $0x4;
	s18 =	sadd.s32 $0x40, s18;
	s14 =	sor.u32 $0x4000, s31;
	[tilespmem:s15+$0x1830 ss:$0x81] =	vst.msk $0xffff, v3  }
.LBB1_3:
0x34: {  	v3 =	vld [tilespmem:s18+$0x10];
	p1 =	sne.s32 s17, $0x1FC;
	[tilespmem:s15+$0x810 ss:$0x81] =	vst.msk $0xffff, v2;
	s19 =	smov.u32 s17;
	s17 =	sadd.s32 $0x4, s17  }
.Ltmp3:
0x35: {  	v2 =	vld [tilespmem:s18+$0xFFFFFFF0];
	[tilespmem:s15+$0x1020 ss:$0x81] =	vst.msk $0xffff, v0;
	(pc) =	sbr.rel @p1 .LBB1_3-.Ltmp3, $4  }
0x36: {  	v0 =	vld [tilespmem:s18+$0x0];
	[tilespmem:s15+$0x0 ss:$0x81] =	vst.msk $0xffff, v1  }
0x37: {  	s15 =	sshra.s32 s19, $0x2;
	v1 =	vld [tilespmem:s18+$0xFFFFFFE0]  }
0x38: {  	s15 =	sadd.s32 s15, s16  }
0x39: {  	s18 =	sadd.s32 $0x40, s18;
	[tilespmem:s15+$0x1830 ss:$0x81] =	vst.msk $0xffff, v3  }
.Ltmp4:
0x3a: {  	_ = 	snop;
	(pc) =	sbr.rel .LBB1_4-.Ltmp4, $1  }
0x3b: {  	_ =	sdelay $0x3  }
.LBB1_6:
0x3c: {  	_ =	sfence.sel $0x180000  }
0x3d: {  	s2 =	simm.s32 $0x1;
	[bflag:$0x0] =	sbarrier.arrive $0xFFFF  }
0x3e: {  	s31 =	simm.s32 $0x2;
	[sflag:s2] =	ssyncpa.u1 $0x1  }
0x3f: {  	[sflag:s31] =	ssyncpa.u1 $0x1  }
0x40: {  	p0 =	sne.s32 s0, $0x0;
	_ =	strace $0x9000004D  }
0x41: {  	s0 =	sadd.s32 @!p0 $0x100000, s1;
	[bflag:$0x2] =	sbarrier.arrive $0xFFFF  }
0x42: {  	[sflag:s0] =	ssyncadd.tile.s32 @!p0 $0x1;
	_ =	shalt  }
.Lfunc_end1:
_tile_overlayer_lowered:
.L_overlay_start_2:
0x43: {  	(tag) =	ssettag $0x2  }
0x44: {  	s0 =	rddreg [dreg:$0x0];
	s2 =	stileid.u32  }
0x45: {  	s1 =	rddreg [dreg:$0x1];
	p0 =	sne.s32 s2, $0x0  }
0x46: {  	s3 =	rddreg [dreg:$0x2];
	[bflag:$0x3] =	sbarrier.arrive $0xFFFF;
	s2 =	simm.s32 @!p0 $0x1C01  }
0x47: {  	[timem:s3], [sflag:s2] =	dma.local @!p0 [hbm:s0], s1  }
0x48: {  	s0 =	simm.s32 @!p0 $0x1  }
0x49: {  	_ =	swait.ge @!p0 [sflag:s0], s1  }
0x4a: {  	s1 =	ssub.s32 @!p0 $0x0, s1;
	[sflag:s0] =	ssyncset.done @!p0 $0x0  }
0x4b: {  	[sflag:s0] =	ssyncadd.s32 @!p0 s1  }
0x4c: {  	[bflag:$0x3] =	sbarrier.arrive $0xFFFF  }
0x4d: {  	_ =	shalt  }

</sc_bundles>
